<compile_context>
chip_gen: v7x
topology: tpu7x:2x2x1
jax: 0.10.2.dev20260603
libtpu: 0.0.44.dev20260713+nightly
codegen_flags: <defaults>
</compile_context>

<pallas_src>
import functools

import jax
import jax.numpy as jnp
from jax import lax
from jax.experimental import pallas as pl
from jax.experimental.pallas import tpu as pltpu
from jax.experimental.pallas import tpu_sc as plsc

N = 10000
D = 128
E = 320000
T = 2

NC = 2
NS = 16
NW = NC * NS

ECHUNK = 128
CHF = 102
CHS = 56
CHMAX = CHF
FAST_CORE = 1
E_PAD = NS * (CHF + CHS) * ECHUNK
ROWS_PER_TILE = 8 * (-(-(N + 1) // (NS * 8)))
N_PAD = ROWS_PER_TILE * NS

NB = 1000
GRID = N // NB



def _h0_body(nt_ref, out_ref):
    nt = nt_ref[...]
    cols = lax.broadcasted_iota(jnp.int32, (NB, D), 1)
    out_ref[...] = (cols % 3 == nt).astype(jnp.float32)


def _flat_body(h_ref, wmT_ref, bm_ref, out_ref):
    h = h_ref[...]
    for t in range(4):
        out_ref[t] = (
            jnp.dot(h, wmT_ref[t], preferred_element_type=jnp.float32)
            + bm_ref[t]
        )


def _gru_body(h_ref, m0_ref, m1_ref, wihT_ref, whhT_ref, bih_ref, bhh_ref,
              out_ref):
    h = h_ref[...]
    m = m0_ref[...] + m1_ref[...]
    gi = jnp.dot(h, wihT_ref[...], preferred_element_type=jnp.float32) + bih_ref[...]
    gh = jnp.dot(m, whhT_ref[...], preferred_element_type=jnp.float32) + bhh_ref[...]
    r = jax.nn.sigmoid(gi[:, :D] + gh[:, :D])
    z = jax.nn.sigmoid(gi[:, D:2 * D] + gh[:, D:2 * D])
    ng = jnp.tanh(gi[:, 2 * D:] + r * gh[:, 2 * D:])
    out_ref[...] = (1.0 - z) * ng + z * m


def _heads_body(h0_ref, h_ref,
                fpW1T_ref, fpb1_ref, fpW2T_ref, fpb2_ref,
                gpW1T_ref, gpb1_ref, gpW2T_ref, gpb2_ref,
                fvW1T_ref, fvb1_ref, fvW2T_ref, fvb2_ref,
                gvW1T_ref, gvb1_ref, gvW2T_ref, gvb2_ref,
                p_ref, v_ref):
    i = pl.program_id(0)

    @pl.when(i == 0)
    def _():
        p_ref[...] = jnp.zeros_like(p_ref)
        v_ref[...] = jnp.zeros_like(v_ref)

    h0 = h0_ref[...]
    h = h_ref[...]
    h0h = jnp.concatenate([h0, h], axis=-1)

    def mlp(x, w1T, b1, w2T, b2):
        t1 = jnp.tanh(jnp.dot(x, w1T[...], preferred_element_type=jnp.float32)
                      + b1[...])
        return jnp.dot(t1, w2T[...], preferred_element_type=jnp.float32) + b2[...]

    fp = mlp(h0h, fpW1T_ref, fpb1_ref, fpW2T_ref, fpb2_ref)
    gp = mlp(h, gpW1T_ref, gpb1_ref, gpW2T_ref, gpb2_ref)
    fv = mlp(h0h, fvW1T_ref, fvb1_ref, fvW2T_ref, fvb2_ref)
    gv = mlp(h, gvW1T_ref, gvb1_ref, gvW2T_ref, gvb2_ref)

    p_ref[...] += jnp.sum(jax.nn.sigmoid(fp) * gp, axis=0, keepdims=True)
    v_ref[...] += jnp.sum(jax.nn.sigmoid(fv) * gv, axis=0, keepdims=True)

    @pl.when(i == GRID - 1)
    def _():
        p = p_ref[...]
        pmax = jnp.max(p, axis=-1, keepdims=True)
        lse = jnp.log(jnp.sum(jnp.exp(p - pmax), axis=-1, keepdims=True)) + pmax
        p_ref[...] = p - lse
        v_ref[...] = jnp.tanh(v_ref[...])



def _h0(node_types):
    return pl.pallas_call(
        _h0_body,
        grid=(GRID,),
        in_specs=[pl.BlockSpec((NB, 1), lambda i: (i, 0))],
        out_specs=pl.BlockSpec((NB, D), lambda i: (i, 0)),
        out_shape=jax.ShapeDtypeStruct((N, D), jnp.float32),
    )(node_types.reshape(N, 1))


def _flat(h, wmT, bm2):
    return pl.pallas_call(
        _flat_body,
        grid=(GRID,),
        in_specs=[
            pl.BlockSpec((NB, D), lambda i: (i, 0)),
            pl.BlockSpec((4, D, D), lambda i: (0, 0, 0)),
            pl.BlockSpec((4, 1, D), lambda i: (0, 0, 0)),
        ],
        out_specs=pl.BlockSpec((4, NB, D), lambda i: (0, i, 0)),
        out_shape=jax.ShapeDtypeStruct((4, N, D), jnp.float32),
    )(h, wmT, bm2)


def _gru(h, parts, wihT, whhT, bih2, bhh2):
    return pl.pallas_call(
        _gru_body,
        grid=(GRID,),
        in_specs=[
            pl.BlockSpec((NB, D), lambda i: (i, 0)),
            pl.BlockSpec((NB, D), lambda i: (i, 0)),
            pl.BlockSpec((NB, D), lambda i: (i, 0)),
            pl.BlockSpec((D, 3 * D), lambda i: (0, 0)),
            pl.BlockSpec((D, 3 * D), lambda i: (0, 0)),
            pl.BlockSpec((1, 3 * D), lambda i: (0, 0)),
            pl.BlockSpec((1, 3 * D), lambda i: (0, 0)),
        ],
        out_specs=pl.BlockSpec((NB, D), lambda i: (i, 0)),
        out_shape=jax.ShapeDtypeStruct((N, D), jnp.float32),
    )(h, parts[0, :N], parts[1, :N], wihT, whhT, bih2, bhh2)


def _heads(h0, h, fpW1T, fpb1, fpW2T, fpb2, gpW1T, gpb1, gpW2T, gpb2,
           fvW1T, fvb1, fvW2T, fvb2, gvW1T, gvb1, gvW2T, gvb2):
    def full(shape):
        return pl.BlockSpec(shape, lambda i: tuple(0 for _ in shape))
    return pl.pallas_call(
        _heads_body,
        grid=(GRID,),
        in_specs=[
            pl.BlockSpec((NB, D), lambda i: (i, 0)),
            pl.BlockSpec((NB, D), lambda i: (i, 0)),
            full((2 * D, D)), full((1, D)), full((D, 2)), full((1, 2)),
            full((D, D)), full((1, D)), full((D, 2)), full((1, 2)),
            full((2 * D, D)), full((1, D)), full((D, 1)), full((1, 1)),
            full((D, D)), full((1, D)), full((D, 1)), full((1, 1)),
        ],
        out_specs=[
            pl.BlockSpec((1, 2), lambda i: (0, 0)),
            pl.BlockSpec((1, 1), lambda i: (0, 0)),
        ],
        out_shape=[
            jax.ShapeDtypeStruct((1, 2), jnp.float32),
            jax.ShapeDtypeStruct((1, 1), jnp.float32),
        ],
    )(h0, h, fpW1T, fpb1, fpW2T, fpb2, gpW1T, gpb1, gpW2T, gpb2,
      fvW1T, fvb1, fvW2T, fvb2, gvW1T, gvb1, gvW2T, gvb2)



def _sc_edge_body(flat_hbm, gidx_hbm, dst_hbm, zeros_hbm, out_hbm,
                  gidx_v, dst_v, rows_v, sem, acc):
    c = lax.axis_index("c")
    s = lax.axis_index("s")
    wid = s * NC + c
    base = s * ROWS_PER_TILE

    pltpu.sync_copy(zeros_hbm, acc.at[pl.ds(base, ROWS_PER_TILE)])
    pltpu.sync_copy(gidx_hbm.at[wid], gidx_v)
    pltpu.sync_copy(dst_hbm.at[wid], dst_v)
    plsc.subcore_barrier()

    nch = jnp.where(c == FAST_CORE, CHF, CHS)

    def body(j, carry):
        pltpu.async_copy(flat_hbm.at[gidx_v.at[j]], rows_v, sem).wait()
        pltpu.sync_copy(rows_v, acc.at[dst_v.at[j]], add=True)
        return carry

    lax.fori_loop(0, nch, body, 0)
    plsc.subcore_barrier()

    pltpu.sync_copy(acc.at[pl.ds(base, ROWS_PER_TILE)],
                    out_hbm.at[c, pl.ds(base, ROWS_PER_TILE)])


@functools.cache
def _sc_edge_kernel():
    return pl.kernel(
        _sc_edge_body,
        out_type=jax.ShapeDtypeStruct((NC, N_PAD, D), jnp.float32),
        mesh=plsc.VectorSubcoreMesh(core_axis_name="c", subcore_axis_name="s",
                                    num_cores=NC, num_subcores=NS),
        scratch_types=[
            pltpu.VMEM((CHMAX, ECHUNK), jnp.int32),
            pltpu.VMEM((CHMAX, ECHUNK), jnp.int32),
            pltpu.VMEM((ECHUNK, D), jnp.float32),
            pltpu.SemaphoreType.DMA,
            pltpu.VMEM_SHARED((N_PAD, D), jnp.float32),
        ],
    )


def _sc_edge(flat, gidx3, dst3, zrows):
    return _sc_edge_kernel()(flat, gidx3, dst3, zrows)



def kernel(node_types, edge_index, edge_type, Wm, bm, W_ih, W_hh, b_ih, b_hh,
           fp_W1, fp_b1, fp_W2, fp_b2, gp_W1, gp_b1, gp_W2, gp_b2,
           fv_W1, fv_b1, fv_W2, fv_b2, gv_W1, gv_b1, gv_W2, gv_b2):
    node_types = node_types.astype(jnp.int32)
    src = edge_index[0].astype(jnp.int32)
    dst = edge_index[1].astype(jnp.int32)
    et = edge_type.astype(jnp.int32)

    def split_uneven(x, fill):
        x = jnp.concatenate([x, jnp.full((E_PAD - E,), fill, jnp.int32)])
        blk = x.reshape(NS, (CHF + CHS) * ECHUNK)
        big = blk[:, :CHF * ECHUNK].reshape(NS, CHF, ECHUNK)
        sml = blk[:, CHF * ECHUNK:].reshape(NS, CHS, ECHUNK)
        sml = jnp.pad(sml, ((0, 0), (0, CHMAX - CHS), (0, 0)),
                      constant_values=fill)
        pair = [big, sml] if FAST_CORE == 0 else [sml, big]
        return jnp.stack(pair, axis=1).reshape(NW, CHMAX, ECHUNK)

    gidx3 = split_uneven(et * N + src, 0)
    dst3 = split_uneven(dst, N)
    zrows = jnp.zeros((ROWS_PER_TILE, D), jnp.float32)

    wmT = jnp.transpose(Wm, (0, 2, 1))
    bm2 = bm.reshape(4, 1, D)
    wihT = W_ih.T
    whhT = W_hh.T
    bih2 = b_ih.reshape(1, 3 * D)
    bhh2 = b_hh.reshape(1, 3 * D)

    h0 = _h0(node_types)
    h = h0
    for _ in range(T):
        flat = _flat(h, wmT, bm2).reshape(4 * N, D)
        parts = _sc_edge(flat, gidx3, dst3, zrows)
        h = _gru(h, parts, wihT, whhT, bih2, bhh2)

    p, v = _heads(h0, h,
                  fp_W1.T, fp_b1.reshape(1, D), fp_W2.T, fp_b2.reshape(1, 2),
                  gp_W1.T, gp_b1.reshape(1, D), gp_W2.T, gp_b2.reshape(1, 2),
                  fv_W1.T, fv_b1.reshape(1, D), fv_W2.T, fv_b2.reshape(1, 1),
                  gv_W1.T, gv_b1.reshape(1, D), gv_W2.T, gv_b2.reshape(1, 1))
    return p.reshape(2), v.reshape(1)

# --- scband reference (transcript-rebuilt; emitter-appended) ---
"""Pipeline reference for scband-qbfnnet-57784490000510 (READ-ONLY COPY).

The authoritative reference and input builder live on the scoring server;
editing this copy changes nothing except your own understanding.
"""

import jax, jax.numpy as jnp
import numpy as np

HIDDEN_DIM = 128
T = 2
N_NODES = 10000
N_EDGES = 320000


def setup_inputs(seed: int = 0) -> dict:
    key = jax.random.key(seed)
    ks = jax.random.split(key, 32)
    d = HIDDEN_DIM
    inp = {}
    inp["node_types"] = jax.random.randint(ks[0], (N_NODES,), 0, 3, dtype=jnp.int64 if jax.config.jax_enable_x64 else jnp.int32)
    inp["edge_index"] = jax.random.randint(ks[1], (2, N_EDGES), 0, N_NODES)
    inp["edge_type"] = jax.random.randint(ks[2], (N_EDGES,), 0, 4)
    def p(k, shape):
        return jax.random.normal(k, shape, dtype=jnp.float32) * 0.05
    inp["Wm"] = p(ks[3], (4, d, d))
    inp["bm"] = p(ks[4], (4, d))
    inp["W_ih"] = p(ks[5], (3 * d, d))
    inp["W_hh"] = p(ks[6], (3 * d, d))
    inp["b_ih"] = p(ks[7], (3 * d,))
    inp["b_hh"] = p(ks[8], (3 * d,))
    inp["fp_W1"] = p(ks[9], (d, 2 * d)); inp["fp_b1"] = p(ks[10], (d,))
    inp["fp_W2"] = p(ks[11], (2, d));    inp["fp_b2"] = p(ks[12], (2,))
    inp["gp_W1"] = p(ks[13], (d, d));    inp["gp_b1"] = p(ks[14], (d,))
    inp["gp_W2"] = p(ks[15], (2, d));    inp["gp_b2"] = p(ks[16], (2,))
    inp["fv_W1"] = p(ks[17], (d, 2 * d)); inp["fv_b1"] = p(ks[18], (d,))
    inp["fv_W2"] = p(ks[19], (1, d));    inp["fv_b2"] = p(ks[20], (1,))
    inp["gv_W1"] = p(ks[21], (d, d));    inp["gv_b1"] = p(ks[22], (d,))
    inp["gv_W2"] = p(ks[23], (1, d));    inp["gv_b2"] = p(ks[24], (1,))
    return inp


def reference(node_types, edge_index, edge_type, Wm, bm, W_ih, W_hh, b_ih, b_hh,
              fp_W1, fp_b1, fp_W2, fp_b2, gp_W1, gp_b1, gp_W2, gp_b2,
              fv_W1, fv_b1, fv_W2, fv_b2, gv_W1, gv_b1, gv_W2, gv_b2):
    d = Wm.shape[1]
    n = node_types.shape[0]
    # H0[i, t::3] = 1  <=>  (col % 3) == node_type[i]
    cols = jnp.arange(d)
    H0 = ((cols[None, :] % 3) == node_types[:, None]).astype(jnp.float32)
    H = H0
    src = edge_index[0]
    dst = edge_index[1]
    for _ in range(T):
        # per-edge-type linear transforms of all node states: [4, N, d]
        Ht = jnp.einsum('toi,ni->tno', Wm, H) + bm[:, None, :]
        flat = Ht.reshape(4 * n, d)
        # gather transformed source states by (edge_type, src) -> scatter-add to dst
        vals = jnp.take(flat, edge_type * n + src, axis=0)
        m = jax.ops.segment_sum(vals, dst, num_segments=n)
        # torch GRU step with input x = H, hidden h = m
        gi = H @ W_ih.T + b_ih
        gh = m @ W_hh.T + b_hh
        i_r, i_z, i_n = jnp.split(gi, 3, axis=-1)
        h_r, h_z, h_n = jnp.split(gh, 3, axis=-1)
        r = jax.nn.sigmoid(i_r + h_r)
        z = jax.nn.sigmoid(i_z + h_z)
        ng = jnp.tanh(i_n + r * h_n)
        H = (1.0 - z) * ng + z * m
    H0H = jnp.concatenate([H0, H], axis=-1)
    fp = jnp.tanh(H0H @ fp_W1.T + fp_b1) @ fp_W2.T + fp_b2
    gp = jnp.tanh(H @ gp_W1.T + gp_b1) @ gp_W2.T + gp_b2
    fv = jnp.tanh(H0H @ fv_W1.T + fv_b1) @ fv_W2.T + fv_b2
    gv = jnp.tanh(H @ gv_W1.T + gv_b1) @ gv_W2.T + gv_b2
    p = jnp.sum(jax.nn.sigmoid(fp) * gp, axis=0)
    v = jnp.sum(jax.nn.sigmoid(fv) * gv, axis=0)
    return (jax.nn.log_softmax(p, axis=0), jnp.tanh(v))

if __name__ == "__main__":
    import jax
    _d = setup_inputs()
    print(jax.jit(kernel)(*tuple(_d.values())))

</pallas_src>

<mosaic_0001>
#map = affine_map<(d0, d1) -> (0, 0)>
#map1 = affine_map<(d0, d1) -> (0, 0, 0)>
module attributes {stable_mosaic.version = 14 : i64} {
  func.func @_sc_edge_body(%arg0: i32, %arg1: i32, %arg2: memref<40000x128xf32, #tpu.memory_space<hbm>>, %arg3: memref<32x102x128xi32, #tpu.memory_space<hbm>>, %arg4: memref<32x102x128xi32, #tpu.memory_space<hbm>>, %arg5: memref<632x128xf32, #tpu.memory_space<hbm>>, %arg6: memref<2x10112x128xf32, #tpu.memory_space<hbm>>, %arg7: memref<102x128xi32, #tpu.memory_space<vmem>>, %arg8: memref<102x128xi32, #tpu.memory_space<vmem>>, %arg9: memref<128x128xf32, #tpu.memory_space<vmem>>, %arg10: memref<!tpu.dma_semaphore, #tpu.memory_space<semaphore_mem>>, %arg11: memref<10112x128xf32, #tpu.memory_space<vmem_shared>>) attributes {dimension_semantics = [#tpu.dimension_semantics<core_parallel>, #tpu.dimension_semantics<subcore_parallel>], iteration_bounds = array<i64: 2, 16>, scalar_prefetch = 0 : i64, scratch_operands = 5 : i64, tpu.core_type = #tpu.core_type<sc_vector_subcore>, window_params = [{transform_indices = #map}, {transform_indices = #map1}, {transform_indices = #map1}, {transform_indices = #map}, {transform_indices = #map1}]} {
    %mul3A = arith.constant 2 : i32
    %mul3A_0 = arith.muli %arg1, %mul3A : i32
    %add3A = arith.addi %mul3A_0, %arg0 : i32
    %mul3A_1 = arith.constant 632 : i32
    %mul3A_2 = arith.muli %arg1, %mul3A_1 : i32
    "tpu.region"() ({
      %run_scoped3A = tpu.sem_alloc : memref<!tpu.dma_semaphore, #tpu.memory_space<semaphore_mem>>
      %dma_start3A = arith.constant 0 : i32
      %dma_start3A_15 = tpu.memref_slice %arg11[%mul3A_2, %dma_start3A] : memref<10112x128xf32, #tpu.memory_space<vmem_shared>> -> memref<632x128xf32, #tpu.memory_space<vmem_shared>>
      tpu.enqueue_dma source(%arg5 : memref<632x128xf32, #tpu.memory_space<hbm>>) target(%dma_start3A_15 : memref<632x128xf32, #tpu.memory_space<vmem_shared>>) target_semaphore(%run_scoped3A : memref<!tpu.dma_semaphore, #tpu.memory_space<semaphore_mem>>)
      %dma_wait3A = arith.constant 0 : i32
      %dma_wait3A_16 = tpu.memref_slice %arg11[%mul3A_2, %dma_wait3A] : memref<10112x128xf32, #tpu.memory_space<vmem_shared>> -> memref<632x128xf32, #tpu.memory_space<vmem_shared>>
      tpu.wait_dma2 semaphore(%run_scoped3A : memref<!tpu.dma_semaphore, #tpu.memory_space<semaphore_mem>>) src(%arg5 : memref<632x128xf32, #tpu.memory_space<hbm>>) dst(%dma_wait3A_16 : memref<632x128xf32, #tpu.memory_space<vmem_shared>>)
      tpu.yield
    }) : () -> ()
    "tpu.region"() ({
      %run_scoped3A = tpu.sem_alloc : memref<!tpu.dma_semaphore, #tpu.memory_space<semaphore_mem>>
      %dma_start3A = arith.constant 0 : i32
      %dma_start3A_15 = arith.constant 0 : i32
      %dma_start3A_16 = tpu.memref_slice %arg3[%add3A, %dma_start3A, %dma_start3A_15] : memref<32x102x128xi32, #tpu.memory_space<hbm>> -> memref<1x102x128xi32, #tpu.memory_space<hbm>>
      %dma_start3A_17 = tpu.memref_squeeze %dma_start3A_16 : memref<1x102x128xi32, #tpu.memory_space<hbm>> -> memref<102x128xi32, #tpu.memory_space<hbm>>
      %dma_start3A_18 = arith.constant 0 : i32
      %dma_start3A_19 = arith.constant 0 : i32
      %dma_start3A_20 = tpu.memref_slice %arg3[%add3A, %dma_start3A_18, %dma_start3A_19] : memref<32x102x128xi32, #tpu.memory_space<hbm>> -> memref<1x102x128xi32, #tpu.memory_space<hbm>>
      %dma_start3A_21 = tpu.memref_squeeze %dma_start3A_20 : memref<1x102x128xi32, #tpu.memory_space<hbm>> -> memref<102x128xi32, #tpu.memory_space<hbm>>
      tpu.enqueue_dma source(%dma_start3A_21 : memref<102x128xi32, #tpu.memory_space<hbm>>) target(%arg7 : memref<102x128xi32, #tpu.memory_space<vmem>>) target_semaphore(%run_scoped3A : memref<!tpu.dma_semaphore, #tpu.memory_space<semaphore_mem>>)
      %dma_wait3A = arith.constant 0 : i32
      %dma_wait3A_22 = arith.constant 0 : i32
      %dma_wait3A_23 = tpu.memref_slice %arg3[%add3A, %dma_wait3A, %dma_wait3A_22] : memref<32x102x128xi32, #tpu.memory_space<hbm>> -> memref<1x102x128xi32, #tpu.memory_space<hbm>>
      %dma_wait3A_24 = tpu.memref_squeeze %dma_wait3A_23 : memref<1x102x128xi32, #tpu.memory_space<hbm>> -> memref<102x128xi32, #tpu.memory_space<hbm>>
      %dma_wait3A_25 = arith.constant 0 : i32
      %dma_wait3A_26 = arith.constant 0 : i32
      %dma_wait3A_27 = tpu.memref_slice %arg3[%add3A, %dma_wait3A_25, %dma_wait3A_26] : memref<32x102x128xi32, #tpu.memory_space<hbm>> -> memref<1x102x128xi32, #tpu.memory_space<hbm>>
      %dma_wait3A_28 = tpu.memref_squeeze %dma_wait3A_27 : memref<1x102x128xi32, #tpu.memory_space<hbm>> -> memref<102x128xi32, #tpu.memory_space<hbm>>
      tpu.wait_dma2 semaphore(%run_scoped3A : memref<!tpu.dma_semaphore, #tpu.memory_space<semaphore_mem>>) src(%dma_wait3A_28 : memref<102x128xi32, #tpu.memory_space<hbm>>) dst(%arg7 : memref<102x128xi32, #tpu.memory_space<vmem>>)
      tpu.yield
    }) : () -> ()
    "tpu.region"() ({
      %run_scoped3A = tpu.sem_alloc : memref<!tpu.dma_semaphore, #tpu.memory_space<semaphore_mem>>
      %dma_start3A = arith.constant 0 : i32
      %dma_start3A_15 = arith.constant 0 : i32
      %dma_start3A_16 = tpu.memref_slice %arg4[%add3A, %dma_start3A, %dma_start3A_15] : memref<32x102x128xi32, #tpu.memory_space<hbm>> -> memref<1x102x128xi32, #tpu.memory_space<hbm>>
      %dma_start3A_17 = tpu.memref_squeeze %dma_start3A_16 : memref<1x102x128xi32, #tpu.memory_space<hbm>> -> memref<102x128xi32, #tpu.memory_space<hbm>>
      %dma_start3A_18 = arith.constant 0 : i32
      %dma_start3A_19 = arith.constant 0 : i32
      %dma_start3A_20 = tpu.memref_slice %arg4[%add3A, %dma_start3A_18, %dma_start3A_19] : memref<32x102x128xi32, #tpu.memory_space<hbm>> -> memref<1x102x128xi32, #tpu.memory_space<hbm>>
      %dma_start3A_21 = tpu.memref_squeeze %dma_start3A_20 : memref<1x102x128xi32, #tpu.memory_space<hbm>> -> memref<102x128xi32, #tpu.memory_space<hbm>>
      tpu.enqueue_dma source(%dma_start3A_21 : memref<102x128xi32, #tpu.memory_space<hbm>>) target(%arg8 : memref<102x128xi32, #tpu.memory_space<vmem>>) target_semaphore(%run_scoped3A : memref<!tpu.dma_semaphore, #tpu.memory_space<semaphore_mem>>)
      %dma_wait3A = arith.constant 0 : i32
      %dma_wait3A_22 = arith.constant 0 : i32
      %dma_wait3A_23 = tpu.memref_slice %arg4[%add3A, %dma_wait3A, %dma_wait3A_22] : memref<32x102x128xi32, #tpu.memory_space<hbm>> -> memref<1x102x128xi32, #tpu.memory_space<hbm>>
      %dma_wait3A_24 = tpu.memref_squeeze %dma_wait3A_23 : memref<1x102x128xi32, #tpu.memory_space<hbm>> -> memref<102x128xi32, #tpu.memory_space<hbm>>
      %dma_wait3A_25 = arith.constant 0 : i32
      %dma_wait3A_26 = arith.constant 0 : i32
      %dma_wait3A_27 = tpu.memref_slice %arg4[%add3A, %dma_wait3A_25, %dma_wait3A_26] : memref<32x102x128xi32, #tpu.memory_space<hbm>> -> memref<1x102x128xi32, #tpu.memory_space<hbm>>
      %dma_wait3A_28 = tpu.memref_squeeze %dma_wait3A_27 : memref<1x102x128xi32, #tpu.memory_space<hbm>> -> memref<102x128xi32, #tpu.memory_space<hbm>>
      tpu.wait_dma2 semaphore(%run_scoped3A : memref<!tpu.dma_semaphore, #tpu.memory_space<semaphore_mem>>) src(%dma_wait3A_28 : memref<102x128xi32, #tpu.memory_space<hbm>>) dst(%arg8 : memref<102x128xi32, #tpu.memory_space<vmem>>)
      tpu.yield
    }) : () -> ()
    %barrier3A = arith.constant 0 : index
    tpu.barrier barrier_id(%barrier3A)
    %eq3A = arith.constant 1 : i32
    %eq3A_3 = arith.cmpi eq, %arg0, %eq3A : i32
    %jit3A = arith.constant 102 : i32
    %jit3A_4 = arith.constant 56 : i32
    %select_n3A = arith.select %eq3A_3, %jit3A, %jit3A_4 : i32
    %while3A = arith.constant 0 : i32
    %while3A_5 = arith.constant 0 : i32
    %while3A_6 = arith.subi %select_n3A, %while3A_5 : i32
    %while3A_7 = arith.addi %while3A_5, %while3A_6 : i32
    %while3A_8 = arith.constant 1 : i32
    %while3A_9 = arith.divsi %while3A_6, %while3A_8 : i32
    %while3A_10 = arith.muli %while3A_9, %while3A_8 : i32
    %while3A_11 = arith.addi %while3A_5, %while3A_10 : i32
    %while3A_12 = arith.constant 1 : i32
    scf.for %while3A_15 = %while3A_5 to %while3A_11 step %while3A_12  : i32 {
      %dma_start3A = arith.constant 0 : i32
      %dma_start3A_16 = tpu.memref_slice %arg7[%while3A_15, %dma_start3A] : memref<102x128xi32, #tpu.memory_space<vmem>> -> memref<1x128xi32, #tpu.memory_space<vmem>>
      %dma_start3A_17 = tpu.memref_squeeze %dma_start3A_16 : memref<1x128xi32, #tpu.memory_space<vmem>> -> memref<128xi32, #tpu.memory_space<vmem>>
      %dma_start3A_18 = arith.constant 0 : i32
      %dma_start3A_19 = arith.constant 0 : i32
      %dma_start3A_20 = tpu.memref_slice %arg2[%dma_start3A_18, %dma_start3A_19] : memref<40000x128xf32, #tpu.memory_space<hbm>> -> memref<40000x128xf32, #tpu.memory_space<hbm>>
      tpu.enqueue_indirect_dma source(%dma_start3A_20 : memref<40000x128xf32, #tpu.memory_space<hbm>>) target(%arg9 : memref<128x128xf32, #tpu.memory_space<vmem>>) offsets(%dma_start3A_17 : memref<128xi32, #tpu.memory_space<vmem>>) semaphore(%arg10 : memref<!tpu.dma_semaphore, #tpu.memory_space<semaphore_mem>>)
      %dma_wait3A = arith.constant 0 : i32
      %dma_wait3A_21 = tpu.memref_slice %arg7[%while3A_15, %dma_wait3A] : memref<102x128xi32, #tpu.memory_space<vmem>> -> memref<1x128xi32, #tpu.memory_space<vmem>>
      %dma_wait3A_22 = tpu.memref_squeeze %dma_wait3A_21 : memref<1x128xi32, #tpu.memory_space<vmem>> -> memref<128xi32, #tpu.memory_space<vmem>>
      %dma_wait3A_23 = arith.constant 0 : i32
      %dma_wait3A_24 = arith.constant 0 : i32
      %dma_wait3A_25 = tpu.memref_slice %arg2[%dma_wait3A_23, %dma_wait3A_24] : memref<40000x128xf32, #tpu.memory_space<hbm>> -> memref<40000x128xf32, #tpu.memory_space<hbm>>
      tpu.wait_indirect_dma semaphore(%arg10 : memref<!tpu.dma_semaphore, #tpu.memory_space<semaphore_mem>>) src(%dma_wait3A_25 : memref<40000x128xf32, #tpu.memory_space<hbm>>) dst(%arg9 : memref<128x128xf32, #tpu.memory_space<vmem>>)
      "tpu.region"() ({
        %run_scoped3A = tpu.sem_alloc : memref<!tpu.dma_semaphore, #tpu.memory_space<semaphore_mem>>
        %dma_start3A_26 = arith.constant 0 : i32
        %dma_start3A_27 = tpu.memref_slice %arg8[%while3A_15, %dma_start3A_26] : memref<102x128xi32, #tpu.memory_space<vmem>> -> memref<1x128xi32, #tpu.memory_space<vmem>>
        %dma_start3A_28 = tpu.memref_squeeze %dma_start3A_27 : memref<1x128xi32, #tpu.memory_space<vmem>> -> memref<128xi32, #tpu.memory_space<vmem>>
        %dma_start3A_29 = arith.constant 0 : i32
        %dma_start3A_30 = arith.constant 0 : i32
        %dma_start3A_31 = tpu.memref_slice %arg11[%dma_start3A_29, %dma_start3A_30] : memref<10112x128xf32, #tpu.memory_space<vmem_shared>> -> memref<10112x128xf32, #tpu.memory_space<vmem_shared>>
        tpu.enqueue_indirect_dma source(%arg9 : memref<128x128xf32, #tpu.memory_space<vmem>>) target(%dma_start3A_31 : memref<10112x128xf32, #tpu.memory_space<vmem_shared>>) offsets(%dma_start3A_28 : memref<128xi32, #tpu.memory_space<vmem>>) semaphore(%run_scoped3A : memref<!tpu.dma_semaphore, #tpu.memory_space<semaphore_mem>>) {add = true}
        %dma_wait3A_32 = arith.constant 0 : i32
        %dma_wait3A_33 = tpu.memref_slice %arg8[%while3A_15, %dma_wait3A_32] : memref<102x128xi32, #tpu.memory_space<vmem>> -> memref<1x128xi32, #tpu.memory_space<vmem>>
        %dma_wait3A_34 = tpu.memref_squeeze %dma_wait3A_33 : memref<1x128xi32, #tpu.memory_space<vmem>> -> memref<128xi32, #tpu.memory_space<vmem>>
        %dma_wait3A_35 = arith.constant 0 : i32
        %dma_wait3A_36 = arith.constant 0 : i32
        %dma_wait3A_37 = tpu.memref_slice %arg11[%dma_wait3A_35, %dma_wait3A_36] : memref<10112x128xf32, #tpu.memory_space<vmem_shared>> -> memref<10112x128xf32, #tpu.memory_space<vmem_shared>>
        tpu.wait_indirect_dma semaphore(%run_scoped3A : memref<!tpu.dma_semaphore, #tpu.memory_space<semaphore_mem>>) src(%arg9 : memref<128x128xf32, #tpu.memory_space<vmem>>) dst(%dma_wait3A_37 : memref<10112x128xf32, #tpu.memory_space<vmem_shared>>)
        tpu.yield
      }) : () -> ()
    }
    %while3A_13 = arith.constant 1 : i32
    scf.for %while3A_15 = %while3A_11 to %while3A_7 step %while3A_13  : i32 {
      %dma_start3A = arith.constant 0 : i32
      %dma_start3A_16 = tpu.memref_slice %arg7[%while3A_15, %dma_start3A] : memref<102x128xi32, #tpu.memory_space<vmem>> -> memref<1x128xi32, #tpu.memory_space<vmem>>
      %dma_start3A_17 = tpu.memref_squeeze %dma_start3A_16 : memref<1x128xi32, #tpu.memory_space<vmem>> -> memref<128xi32, #tpu.memory_space<vmem>>
      %dma_start3A_18 = arith.constant 0 : i32
      %dma_start3A_19 = arith.constant 0 : i32
      %dma_start3A_20 = tpu.memref_slice %arg2[%dma_start3A_18, %dma_start3A_19] : memref<40000x128xf32, #tpu.memory_space<hbm>> -> memref<40000x128xf32, #tpu.memory_space<hbm>>
      tpu.enqueue_indirect_dma source(%dma_start3A_20 : memref<40000x128xf32, #tpu.memory_space<hbm>>) target(%arg9 : memref<128x128xf32, #tpu.memory_space<vmem>>) offsets(%dma_start3A_17 : memref<128xi32, #tpu.memory_space<vmem>>) semaphore(%arg10 : memref<!tpu.dma_semaphore, #tpu.memory_space<semaphore_mem>>)
      %dma_wait3A = arith.constant 0 : i32
      %dma_wait3A_21 = tpu.memref_slice %arg7[%while3A_15, %dma_wait3A] : memref<102x128xi32, #tpu.memory_space<vmem>> -> memref<1x128xi32, #tpu.memory_space<vmem>>
      %dma_wait3A_22 = tpu.memref_squeeze %dma_wait3A_21 : memref<1x128xi32, #tpu.memory_space<vmem>> -> memref<128xi32, #tpu.memory_space<vmem>>
      %dma_wait3A_23 = arith.constant 0 : i32
      %dma_wait3A_24 = arith.constant 0 : i32
      %dma_wait3A_25 = tpu.memref_slice %arg2[%dma_wait3A_23, %dma_wait3A_24] : memref<40000x128xf32, #tpu.memory_space<hbm>> -> memref<40000x128xf32, #tpu.memory_space<hbm>>
      tpu.wait_indirect_dma semaphore(%arg10 : memref<!tpu.dma_semaphore, #tpu.memory_space<semaphore_mem>>) src(%dma_wait3A_25 : memref<40000x128xf32, #tpu.memory_space<hbm>>) dst(%arg9 : memref<128x128xf32, #tpu.memory_space<vmem>>)
      "tpu.region"() ({
        %run_scoped3A = tpu.sem_alloc : memref<!tpu.dma_semaphore, #tpu.memory_space<semaphore_mem>>
        %dma_start3A_26 = arith.constant 0 : i32
        %dma_start3A_27 = tpu.memref_slice %arg8[%while3A_15, %dma_start3A_26] : memref<102x128xi32, #tpu.memory_space<vmem>> -> memref<1x128xi32, #tpu.memory_space<vmem>>
        %dma_start3A_28 = tpu.memref_squeeze %dma_start3A_27 : memref<1x128xi32, #tpu.memory_space<vmem>> -> memref<128xi32, #tpu.memory_space<vmem>>
        %dma_start3A_29 = arith.constant 0 : i32
        %dma_start3A_30 = arith.constant 0 : i32
        %dma_start3A_31 = tpu.memref_slice %arg11[%dma_start3A_29, %dma_start3A_30] : memref<10112x128xf32, #tpu.memory_space<vmem_shared>> -> memref<10112x128xf32, #tpu.memory_space<vmem_shared>>
        tpu.enqueue_indirect_dma source(%arg9 : memref<128x128xf32, #tpu.memory_space<vmem>>) target(%dma_start3A_31 : memref<10112x128xf32, #tpu.memory_space<vmem_shared>>) offsets(%dma_start3A_28 : memref<128xi32, #tpu.memory_space<vmem>>) semaphore(%run_scoped3A : memref<!tpu.dma_semaphore, #tpu.memory_space<semaphore_mem>>) {add = true}
        %dma_wait3A_32 = arith.constant 0 : i32
        %dma_wait3A_33 = tpu.memref_slice %arg8[%while3A_15, %dma_wait3A_32] : memref<102x128xi32, #tpu.memory_space<vmem>> -> memref<1x128xi32, #tpu.memory_space<vmem>>
        %dma_wait3A_34 = tpu.memref_squeeze %dma_wait3A_33 : memref<1x128xi32, #tpu.memory_space<vmem>> -> memref<128xi32, #tpu.memory_space<vmem>>
        %dma_wait3A_35 = arith.constant 0 : i32
        %dma_wait3A_36 = arith.constant 0 : i32
        %dma_wait3A_37 = tpu.memref_slice %arg11[%dma_wait3A_35, %dma_wait3A_36] : memref<10112x128xf32, #tpu.memory_space<vmem_shared>> -> memref<10112x128xf32, #tpu.memory_space<vmem_shared>>
        tpu.wait_indirect_dma semaphore(%run_scoped3A : memref<!tpu.dma_semaphore, #tpu.memory_space<semaphore_mem>>) src(%arg9 : memref<128x128xf32, #tpu.memory_space<vmem>>) dst(%dma_wait3A_37 : memref<10112x128xf32, #tpu.memory_space<vmem_shared>>)
        tpu.yield
      }) : () -> ()
    }
    %barrier3A_14 = arith.constant 0 : index
    tpu.barrier barrier_id(%barrier3A_14)
    "tpu.region"() ({
      %run_scoped3A = tpu.sem_alloc : memref<!tpu.dma_semaphore, #tpu.memory_space<semaphore_mem>>
      %dma_start3A = arith.constant 0 : i32
      %dma_start3A_15 = tpu.memref_slice %arg6[%arg0, %mul3A_2, %dma_start3A] : memref<2x10112x128xf32, #tpu.memory_space<hbm>> -> memref<1x632x128xf32, #tpu.memory_space<hbm>>
      %dma_start3A_16 = tpu.memref_squeeze %dma_start3A_15 : memref<1x632x128xf32, #tpu.memory_space<hbm>> -> memref<632x128xf32, #tpu.memory_space<hbm>>
      %dma_start3A_17 = arith.constant 0 : i32
      %dma_start3A_18 = tpu.memref_slice %arg11[%mul3A_2, %dma_start3A_17] : memref<10112x128xf32, #tpu.memory_space<vmem_shared>> -> memref<632x128xf32, #tpu.memory_space<vmem_shared>>
      tpu.enqueue_dma source(%dma_start3A_18 : memref<632x128xf32, #tpu.memory_space<vmem_shared>>) target(%dma_start3A_16 : memref<632x128xf32, #tpu.memory_space<hbm>>) target_semaphore(%run_scoped3A : memref<!tpu.dma_semaphore, #tpu.memory_space<semaphore_mem>>)
      %dma_wait3A = arith.constant 0 : i32
      %dma_wait3A_19 = tpu.memref_slice %arg6[%arg0, %mul3A_2, %dma_wait3A] : memref<2x10112x128xf32, #tpu.memory_space<hbm>> -> memref<1x632x128xf32, #tpu.memory_space<hbm>>
      %dma_wait3A_20 = tpu.memref_squeeze %dma_wait3A_19 : memref<1x632x128xf32, #tpu.memory_space<hbm>> -> memref<632x128xf32, #tpu.memory_space<hbm>>
      %dma_wait3A_21 = arith.constant 0 : i32
      %dma_wait3A_22 = tpu.memref_slice %arg11[%mul3A_2, %dma_wait3A_21] : memref<10112x128xf32, #tpu.memory_space<vmem_shared>> -> memref<632x128xf32, #tpu.memory_space<vmem_shared>>
      tpu.wait_dma2 semaphore(%run_scoped3A : memref<!tpu.dma_semaphore, #tpu.memory_space<semaphore_mem>>) src(%dma_wait3A_22 : memref<632x128xf32, #tpu.memory_space<vmem_shared>>) dst(%dma_wait3A_20 : memref<632x128xf32, #tpu.memory_space<hbm>>)
      tpu.yield
    }) : () -> ()
    return
  }
}

#map = affine_map<(d0, d1) -> (0, 0)>
#map1 = affine_map<(d0, d1) -> (0, 0, 0)>
module attributes {stable_mosaic.version = 14 : i64} {
  func.func @_sc_edge_body(%arg0: i32, %arg1: i32, %arg2: memref<40000x128xf32, #tpu.memory_space<hbm>>, %arg3: memref<32x102x128xi32, #tpu.memory_space<hbm>>, %arg4: memref<32x102x128xi32, #tpu.memory_space<hbm>>, %arg5: memref<632x128xf32, #tpu.memory_space<hbm>>, %arg6: memref<2x10112x128xf32, #tpu.memory_space<hbm>>, %arg7: memref<102x128xi32, #tpu.memory_space<vmem>>, %arg8: memref<102x128xi32, #tpu.memory_space<vmem>>, %arg9: memref<128x128xf32, #tpu.memory_space<vmem>>, %arg10: memref<!tpu.dma_semaphore, #tpu.memory_space<semaphore_mem>>, %arg11: memref<10112x128xf32, #tpu.memory_space<vmem_shared>>) attributes {dimension_semantics = [#tpu.dimension_semantics<core_parallel>, #tpu.dimension_semantics<subcore_parallel>], iteration_bounds = array<i64: 2, 16>, scalar_prefetch = 0 : i64, scratch_operands = 5 : i64, tpu.core_type = #tpu.core_type<sc_vector_subcore>, window_params = [{transform_indices = #map}, {transform_indices = #map1}, {transform_indices = #map1}, {transform_indices = #map}, {transform_indices = #map1}]} {
    %mul3A = arith.constant 2 : i32
    %mul3A_0 = arith.muli %arg1, %mul3A : i32
    %add3A = arith.addi %mul3A_0, %arg0 : i32
    %mul3A_1 = arith.constant 632 : i32
    %mul3A_2 = arith.muli %arg1, %mul3A_1 : i32
    "tpu.region"() ({
      %run_scoped3A = tpu.sem_alloc : memref<!tpu.dma_semaphore, #tpu.memory_space<semaphore_mem>>
      %dma_start3A = arith.constant 0 : i32
      %dma_start3A_15 = tpu.memref_slice %arg11[%mul3A_2, %dma_start3A] : memref<10112x128xf32, #tpu.memory_space<vmem_shared>> -> memref<632x128xf32, #tpu.memory_space<vmem_shared>>
      tpu.enqueue_dma source(%arg5 : memref<632x128xf32, #tpu.memory_space<hbm>>) target(%dma_start3A_15 : memref<632x128xf32, #tpu.memory_space<vmem_shared>>) target_semaphore(%run_scoped3A : memref<!tpu.dma_semaphore, #tpu.memory_space<semaphore_mem>>)
      %dma_wait3A = arith.constant 0 : i32
      %dma_wait3A_16 = tpu.memref_slice %arg11[%mul3A_2, %dma_wait3A] : memref<10112x128xf32, #tpu.memory_space<vmem_shared>> -> memref<632x128xf32, #tpu.memory_space<vmem_shared>>
      tpu.wait_dma2 semaphore(%run_scoped3A : memref<!tpu.dma_semaphore, #tpu.memory_space<semaphore_mem>>) src(%arg5 : memref<632x128xf32, #tpu.memory_space<hbm>>) dst(%dma_wait3A_16 : memref<632x128xf32, #tpu.memory_space<vmem_shared>>)
      tpu.yield
    }) : () -> ()
    "tpu.region"() ({
      %run_scoped3A = tpu.sem_alloc : memref<!tpu.dma_semaphore, #tpu.memory_space<semaphore_mem>>
      %dma_start3A = arith.constant 0 : i32
      %dma_start3A_15 = arith.constant 0 : i32
      %dma_start3A_16 = tpu.memref_slice %arg3[%add3A, %dma_start3A, %dma_start3A_15] : memref<32x102x128xi32, #tpu.memory_space<hbm>> -> memref<1x102x128xi32, #tpu.memory_space<hbm>>
      %dma_start3A_17 = tpu.memref_squeeze %dma_start3A_16 : memref<1x102x128xi32, #tpu.memory_space<hbm>> -> memref<102x128xi32, #tpu.memory_space<hbm>>
      %dma_start3A_18 = arith.constant 0 : i32
      %dma_start3A_19 = arith.constant 0 : i32
      %dma_start3A_20 = tpu.memref_slice %arg3[%add3A, %dma_start3A_18, %dma_start3A_19] : memref<32x102x128xi32, #tpu.memory_space<hbm>> -> memref<1x102x128xi32, #tpu.memory_space<hbm>>
      %dma_start3A_21 = tpu.memref_squeeze %dma_start3A_20 : memref<1x102x128xi32, #tpu.memory_space<hbm>> -> memref<102x128xi32, #tpu.memory_space<hbm>>
      tpu.enqueue_dma source(%dma_start3A_21 : memref<102x128xi32, #tpu.memory_space<hbm>>) target(%arg7 : memref<102x128xi32, #tpu.memory_space<vmem>>) target_semaphore(%run_scoped3A : memref<!tpu.dma_semaphore, #tpu.memory_space<semaphore_mem>>)
      %dma_wait3A = arith.constant 0 : i32
      %dma_wait3A_22 = arith.constant 0 : i32
      %dma_wait3A_23 = tpu.memref_slice %arg3[%add3A, %dma_wait3A, %dma_wait3A_22] : memref<32x102x128xi32, #tpu.memory_space<hbm>> -> memref<1x102x128xi32, #tpu.memory_space<hbm>>
      %dma_wait3A_24 = tpu.memref_squeeze %dma_wait3A_23 : memref<1x102x128xi32, #tpu.memory_space<hbm>> -> memref<102x128xi32, #tpu.memory_space<hbm>>
      %dma_wait3A_25 = arith.constant 0 : i32
      %dma_wait3A_26 = arith.constant 0 : i32
      %dma_wait3A_27 = tpu.memref_slice %arg3[%add3A, %dma_wait3A_25, %dma_wait3A_26] : memref<32x102x128xi32, #tpu.memory_space<hbm>> -> memref<1x102x128xi32, #tpu.memory_space<hbm>>
      %dma_wait3A_28 = tpu.memref_squeeze %dma_wait3A_27 : memref<1x102x128xi32, #tpu.memory_space<hbm>> -> memref<102x128xi32, #tpu.memory_space<hbm>>
      tpu.wait_dma2 semaphore(%run_scoped3A : memref<!tpu.dma_semaphore, #tpu.memory_space<semaphore_mem>>) src(%dma_wait3A_28 : memref<102x128xi32, #tpu.memory_space<hbm>>) dst(%arg7 : memref<102x128xi32, #tpu.memory_space<vmem>>)
      tpu.yield
    }) : () -> ()
    "tpu.region"() ({
      %run_scoped3A = tpu.sem_alloc : memref<!tpu.dma_semaphore, #tpu.memory_space<semaphore_mem>>
      %dma_start3A = arith.constant 0 : i32
      %dma_start3A_15 = arith.constant 0 : i32
      %dma_start3A_16 = tpu.memref_slice %arg4[%add3A, %dma_start3A, %dma_start3A_15] : memref<32x102x128xi32, #tpu.memory_space<hbm>> -> memref<1x102x128xi32, #tpu.memory_space<hbm>>
      %dma_start3A_17 = tpu.memref_squeeze %dma_start3A_16 : memref<1x102x128xi32, #tpu.memory_space<hbm>> -> memref<102x128xi32, #tpu.memory_space<hbm>>
      %dma_start3A_18 = arith.constant 0 : i32
      %dma_start3A_19 = arith.constant 0 : i32
      %dma_start3A_20 = tpu.memref_slice %arg4[%add3A, %dma_start3A_18, %dma_start3A_19] : memref<32x102x128xi32, #tpu.memory_space<hbm>> -> memref<1x102x128xi32, #tpu.memory_space<hbm>>
      %dma_start3A_21 = tpu.memref_squeeze %dma_start3A_20 : memref<1x102x128xi32, #tpu.memory_space<hbm>> -> memref<102x128xi32, #tpu.memory_space<hbm>>
      tpu.enqueue_dma source(%dma_start3A_21 : memref<102x128xi32, #tpu.memory_space<hbm>>) target(%arg8 : memref<102x128xi32, #tpu.memory_space<vmem>>) target_semaphore(%run_scoped3A : memref<!tpu.dma_semaphore, #tpu.memory_space<semaphore_mem>>)
      %dma_wait3A = arith.constant 0 : i32
      %dma_wait3A_22 = arith.constant 0 : i32
      %dma_wait3A_23 = tpu.memref_slice %arg4[%add3A, %dma_wait3A, %dma_wait3A_22] : memref<32x102x128xi32, #tpu.memory_space<hbm>> -> memref<1x102x128xi32, #tpu.memory_space<hbm>>
      %dma_wait3A_24 = tpu.memref_squeeze %dma_wait3A_23 : memref<1x102x128xi32, #tpu.memory_space<hbm>> -> memref<102x128xi32, #tpu.memory_space<hbm>>
      %dma_wait3A_25 = arith.constant 0 : i32
      %dma_wait3A_26 = arith.constant 0 : i32
      %dma_wait3A_27 = tpu.memref_slice %arg4[%add3A, %dma_wait3A_25, %dma_wait3A_26] : memref<32x102x128xi32, #tpu.memory_space<hbm>> -> memref<1x102x128xi32, #tpu.memory_space<hbm>>
      %dma_wait3A_28 = tpu.memref_squeeze %dma_wait3A_27 : memref<1x102x128xi32, #tpu.memory_space<hbm>> -> memref<102x128xi32, #tpu.memory_space<hbm>>
      tpu.wait_dma2 semaphore(%run_scoped3A : memref<!tpu.dma_semaphore, #tpu.memory_space<semaphore_mem>>) src(%dma_wait3A_28 : memref<102x128xi32, #tpu.memory_space<hbm>>) dst(%arg8 : memref<102x128xi32, #tpu.memory_space<vmem>>)
      tpu.yield
    }) : () -> ()
    %barrier3A = arith.constant 0 : index
    tpu.barrier barrier_id(%barrier3A)
    %eq3A = arith.constant 1 : i32
    %eq3A_3 = arith.cmpi eq, %arg0, %eq3A : i32
    %jit3A = arith.constant 102 : i32
    %jit3A_4 = arith.constant 56 : i32
    %select_n3A = arith.select %eq3A_3, %jit3A, %jit3A_4 : i32
    %while3A = arith.constant 0 : i32
    %while3A_5 = arith.constant 0 : i32
    %while3A_6 = arith.subi %select_n3A, %while3A_5 : i32
    %while3A_7 = arith.addi %while3A_5, %while3A_6 : i32
    %while3A_8 = arith.constant 1 : i32
    %while3A_9 = arith.divsi %while3A_6, %while3A_8 : i32
    %while3A_10 = arith.muli %while3A_9, %while3A_8 : i32
    %while3A_11 = arith.addi %while3A_5, %while3A_10 : i32
    %while3A_12 = arith.constant 1 : i32
    scf.for %while3A_15 = %while3A_5 to %while3A_11 step %while3A_12  : i32 {
      %dma_start3A = arith.constant 0 : i32
      %dma_start3A_16 = tpu.memref_slice %arg7[%while3A_15, %dma_start3A] : memref<102x128xi32, #tpu.memory_space<vmem>> -> memref<1x128xi32, #tpu.memory_space<vmem>>
      %dma_start3A_17 = tpu.memref_squeeze %dma_start3A_16 : memref<1x128xi32, #tpu.memory_space<vmem>> -> memref<128xi32, #tpu.memory_space<vmem>>
      %dma_start3A_18 = arith.constant 0 : i32
      %dma_start3A_19 = arith.constant 0 : i32
      %dma_start3A_20 = tpu.memref_slice %arg2[%dma_start3A_18, %dma_start3A_19] : memref<40000x128xf32, #tpu.memory_space<hbm>> -> memref<40000x128xf32, #tpu.memory_space<hbm>>
      tpu.enqueue_indirect_dma source(%dma_start3A_20 : memref<40000x128xf32, #tpu.memory_space<hbm>>) target(%arg9 : memref<128x128xf32, #tpu.memory_space<vmem>>) offsets(%dma_start3A_17 : memref<128xi32, #tpu.memory_space<vmem>>) semaphore(%arg10 : memref<!tpu.dma_semaphore, #tpu.memory_space<semaphore_mem>>)
      %dma_wait3A = arith.constant 0 : i32
      %dma_wait3A_21 = tpu.memref_slice %arg7[%while3A_15, %dma_wait3A] : memref<102x128xi32, #tpu.memory_space<vmem>> -> memref<1x128xi32, #tpu.memory_space<vmem>>
      %dma_wait3A_22 = tpu.memref_squeeze %dma_wait3A_21 : memref<1x128xi32, #tpu.memory_space<vmem>> -> memref<128xi32, #tpu.memory_space<vmem>>
      %dma_wait3A_23 = arith.constant 0 : i32
      %dma_wait3A_24 = arith.constant 0 : i32
      %dma_wait3A_25 = tpu.memref_slice %arg2[%dma_wait3A_23, %dma_wait3A_24] : memref<40000x128xf32, #tpu.memory_space<hbm>> -> memref<40000x128xf32, #tpu.memory_space<hbm>>
      tpu.wait_indirect_dma semaphore(%arg10 : memref<!tpu.dma_semaphore, #tpu.memory_space<semaphore_mem>>) src(%dma_wait3A_25 : memref<40000x128xf32, #tpu.memory_space<hbm>>) dst(%arg9 : memref<128x128xf32, #tpu.memory_space<vmem>>)
      "tpu.region"() ({
        %run_scoped3A = tpu.sem_alloc : memref<!tpu.dma_semaphore, #tpu.memory_space<semaphore_mem>>
        %dma_start3A_26 = arith.constant 0 : i32
        %dma_start3A_27 = tpu.memref_slice %arg8[%while3A_15, %dma_start3A_26] : memref<102x128xi32, #tpu.memory_space<vmem>> -> memref<1x128xi32, #tpu.memory_space<vmem>>
        %dma_start3A_28 = tpu.memref_squeeze %dma_start3A_27 : memref<1x128xi32, #tpu.memory_space<vmem>> -> memref<128xi32, #tpu.memory_space<vmem>>
        %dma_start3A_29 = arith.constant 0 : i32
        %dma_start3A_30 = arith.constant 0 : i32
        %dma_start3A_31 = tpu.memref_slice %arg11[%dma_start3A_29, %dma_start3A_30] : memref<10112x128xf32, #tpu.memory_space<vmem_shared>> -> memref<10112x128xf32, #tpu.memory_space<vmem_shared>>
        tpu.enqueue_indirect_dma source(%arg9 : memref<128x128xf32, #tpu.memory_space<vmem>>) target(%dma_start3A_31 : memref<10112x128xf32, #tpu.memory_space<vmem_shared>>) offsets(%dma_start3A_28 : memref<128xi32, #tpu.memory_space<vmem>>) semaphore(%run_scoped3A : memref<!tpu.dma_semaphore, #tpu.memory_space<semaphore_mem>>) {add = true}
        %dma_wait3A_32 = arith.constant 0 : i32
        %dma_wait3A_33 = tpu.memref_slice %arg8[%while3A_15, %dma_wait3A_32] : memref<102x128xi32, #tpu.memory_space<vmem>> -> memref<1x128xi32, #tpu.memory_space<vmem>>
        %dma_wait3A_34 = tpu.memref_squeeze %dma_wait3A_33 : memref<1x128xi32, #tpu.memory_space<vmem>> -> memref<128xi32, #tpu.memory_space<vmem>>
        %dma_wait3A_35 = arith.constant 0 : i32
        %dma_wait3A_36 = arith.constant 0 : i32
        %dma_wait3A_37 = tpu.memref_slice %arg11[%dma_wait3A_35, %dma_wait3A_36] : memref<10112x128xf32, #tpu.memory_space<vmem_shared>> -> memref<10112x128xf32, #tpu.memory_space<vmem_shared>>
        tpu.wait_indirect_dma semaphore(%run_scoped3A : memref<!tpu.dma_semaphore, #tpu.memory_space<semaphore_mem>>) src(%arg9 : memref<128x128xf32, #tpu.memory_space<vmem>>) dst(%dma_wait3A_37 : memref<10112x128xf32, #tpu.memory_space<vmem_shared>>)
        tpu.yield
      }) : () -> ()
    }
    %while3A_13 = arith.constant 1 : i32
    scf.for %while3A_15 = %while3A_11 to %while3A_7 step %while3A_13  : i32 {
      %dma_start3A = arith.constant 0 : i32
      %dma_start3A_16 = tpu.memref_slice %arg7[%while3A_15, %dma_start3A] : memref<102x128xi32, #tpu.memory_space<vmem>> -> memref<1x128xi32, #tpu.memory_space<vmem>>
      %dma_start3A_17 = tpu.memref_squeeze %dma_start3A_16 : memref<1x128xi32, #tpu.memory_space<vmem>> -> memref<128xi32, #tpu.memory_space<vmem>>
      %dma_start3A_18 = arith.constant 0 : i32
      %dma_start3A_19 = arith.constant 0 : i32
      %dma_start3A_20 = tpu.memref_slice %arg2[%dma_start3A_18, %dma_start3A_19] : memref<40000x128xf32, #tpu.memory_space<hbm>> -> memref<40000x128xf32, #tpu.memory_space<hbm>>
      tpu.enqueue_indirect_dma source(%dma_start3A_20 : memref<40000x128xf32, #tpu.memory_space<hbm>>) target(%arg9 : memref<128x128xf32, #tpu.memory_space<vmem>>) offsets(%dma_start3A_17 : memref<128xi32, #tpu.memory_space<vmem>>) semaphore(%arg10 : memref<!tpu.dma_semaphore, #tpu.memory_space<semaphore_mem>>)
      %dma_wait3A = arith.constant 0 : i32
      %dma_wait3A_21 = tpu.memref_slice %arg7[%while3A_15, %dma_wait3A] : memref<102x128xi32, #tpu.memory_space<vmem>> -> memref<1x128xi32, #tpu.memory_space<vmem>>
      %dma_wait3A_22 = tpu.memref_squeeze %dma_wait3A_21 : memref<1x128xi32, #tpu.memory_space<vmem>> -> memref<128xi32, #tpu.memory_space<vmem>>
      %dma_wait3A_23 = arith.constant 0 : i32
      %dma_wait3A_24 = arith.constant 0 : i32
      %dma_wait3A_25 = tpu.memref_slice %arg2[%dma_wait3A_23, %dma_wait3A_24] : memref<40000x128xf32, #tpu.memory_space<hbm>> -> memref<40000x128xf32, #tpu.memory_space<hbm>>
      tpu.wait_indirect_dma semaphore(%arg10 : memref<!tpu.dma_semaphore, #tpu.memory_space<semaphore_mem>>) src(%dma_wait3A_25 : memref<40000x128xf32, #tpu.memory_space<hbm>>) dst(%arg9 : memref<128x128xf32, #tpu.memory_space<vmem>>)
      "tpu.region"() ({
        %run_scoped3A = tpu.sem_alloc : memref<!tpu.dma_semaphore, #tpu.memory_space<semaphore_mem>>
        %dma_start3A_26 = arith.constant 0 : i32
        %dma_start3A_27 = tpu.memref_slice %arg8[%while3A_15, %dma_start3A_26] : memref<102x128xi32, #tpu.memory_space<vmem>> -> memref<1x128xi32, #tpu.memory_space<vmem>>
        %dma_start3A_28 = tpu.memref_squeeze %dma_start3A_27 : memref<1x128xi32, #tpu.memory_space<vmem>> -> memref<128xi32, #tpu.memory_space<vmem>>
        %dma_start3A_29 = arith.constant 0 : i32
        %dma_start3A_30 = arith.constant 0 : i32
        %dma_start3A_31 = tpu.memref_slice %arg11[%dma_start3A_29, %dma_start3A_30] : memref<10112x128xf32, #tpu.memory_space<vmem_shared>> -> memref<10112x128xf32, #tpu.memory_space<vmem_shared>>
        tpu.enqueue_indirect_dma source(%arg9 : memref<128x128xf32, #tpu.memory_space<vmem>>) target(%dma_start3A_31 : memref<10112x128xf32, #tpu.memory_space<vmem_shared>>) offsets(%dma_start3A_28 : memref<128xi32, #tpu.memory_space<vmem>>) semaphore(%run_scoped3A : memref<!tpu.dma_semaphore, #tpu.memory_space<semaphore_mem>>) {add = true}
        %dma_wait3A_32 = arith.constant 0 : i32
        %dma_wait3A_33 = tpu.memref_slice %arg8[%while3A_15, %dma_wait3A_32] : memref<102x128xi32, #tpu.memory_space<vmem>> -> memref<1x128xi32, #tpu.memory_space<vmem>>
        %dma_wait3A_34 = tpu.memref_squeeze %dma_wait3A_33 : memref<1x128xi32, #tpu.memory_space<vmem>> -> memref<128xi32, #tpu.memory_space<vmem>>
        %dma_wait3A_35 = arith.constant 0 : i32
        %dma_wait3A_36 = arith.constant 0 : i32
        %dma_wait3A_37 = tpu.memref_slice %arg11[%dma_wait3A_35, %dma_wait3A_36] : memref<10112x128xf32, #tpu.memory_space<vmem_shared>> -> memref<10112x128xf32, #tpu.memory_space<vmem_shared>>
        tpu.wait_indirect_dma semaphore(%run_scoped3A : memref<!tpu.dma_semaphore, #tpu.memory_space<semaphore_mem>>) src(%arg9 : memref<128x128xf32, #tpu.memory_space<vmem>>) dst(%dma_wait3A_37 : memref<10112x128xf32, #tpu.memory_space<vmem_shared>>)
        tpu.yield
      }) : () -> ()
    }
    %barrier3A_14 = arith.constant 0 : index
    tpu.barrier barrier_id(%barrier3A_14)
    "tpu.region"() ({
      %run_scoped3A = tpu.sem_alloc : memref<!tpu.dma_semaphore, #tpu.memory_space<semaphore_mem>>
      %dma_start3A = arith.constant 0 : i32
      %dma_start3A_15 = tpu.memref_slice %arg6[%arg0, %mul3A_2, %dma_start3A] : memref<2x10112x128xf32, #tpu.memory_space<hbm>> -> memref<1x632x128xf32, #tpu.memory_space<hbm>>
      %dma_start3A_16 = tpu.memref_squeeze %dma_start3A_15 : memref<1x632x128xf32, #tpu.memory_space<hbm>> -> memref<632x128xf32, #tpu.memory_space<hbm>>
      %dma_start3A_17 = arith.constant 0 : i32
      %dma_start3A_18 = tpu.memref_slice %arg11[%mul3A_2, %dma_start3A_17] : memref<10112x128xf32, #tpu.memory_space<vmem_shared>> -> memref<632x128xf32, #tpu.memory_space<vmem_shared>>
      tpu.enqueue_dma source(%dma_start3A_18 : memref<632x128xf32, #tpu.memory_space<vmem_shared>>) target(%dma_start3A_16 : memref<632x128xf32, #tpu.memory_space<hbm>>) target_semaphore(%run_scoped3A : memref<!tpu.dma_semaphore, #tpu.memory_space<semaphore_mem>>)
      %dma_wait3A = arith.constant 0 : i32
      %dma_wait3A_19 = tpu.memref_slice %arg6[%arg0, %mul3A_2, %dma_wait3A] : memref<2x10112x128xf32, #tpu.memory_space<hbm>> -> memref<1x632x128xf32, #tpu.memory_space<hbm>>
      %dma_wait3A_20 = tpu.memref_squeeze %dma_wait3A_19 : memref<1x632x128xf32, #tpu.memory_space<hbm>> -> memref<632x128xf32, #tpu.memory_space<hbm>>
      %dma_wait3A_21 = arith.constant 0 : i32
      %dma_wait3A_22 = tpu.memref_slice %arg11[%mul3A_2, %dma_wait3A_21] : memref<10112x128xf32, #tpu.memory_space<vmem_shared>> -> memref<632x128xf32, #tpu.memory_space<vmem_shared>>
      tpu.wait_dma2 semaphore(%run_scoped3A : memref<!tpu.dma_semaphore, #tpu.memory_space<semaphore_mem>>) src(%dma_wait3A_22 : memref<632x128xf32, #tpu.memory_space<vmem_shared>>) dst(%dma_wait3A_20 : memref<632x128xf32, #tpu.memory_space<hbm>>)
      tpu.yield
    }) : () -> ()
    return
  }
}

module attributes {stable_mosaic.version = 14 : i64} {
  func.func @_h0_body(%arg0: i32, %arg1: memref<1000x1xi32, #tpu.memory_space<vmem>>, %arg2: memref<1000x128xf32, #tpu.memory_space<vmem>>) attributes {dimension_semantics = [#tpu.dimension_semantics<arbitrary>], iteration_bounds = array<i64: 10>, scalar_prefetch = 0 : i64, scratch_operands = 0 : i64, tpu.core_type = #tpu.core_type<tc>, window_params = [{transform_indices = @transform_0, window_bounds = array<i64: 1000, 1>}, {transform_indices = @transform_1, window_bounds = array<i64: 1000, 128>}]} {
    %get3A = arith.constant 0 : index
    %get3A_0 = arith.constant 0 : index
    %get3A_1 = vector.load %arg1[%get3A, %get3A_0] : memref<1000x1xi32, #tpu.memory_space<vmem>>, vector<1000x1xi32>
    %iota3A = tpu.iota {dimensions = array<i32: 1>} : vector<1000x128xi32>
    %jit3A = arith.constant 3 : i32
    %eq3A = arith.constant 0 : i32
    %eq3A_2 = arith.cmpi eq, %jit3A, %eq3A : i32
    %jit3A_3 = arith.constant 1 : i32
    %select_n3A = arith.select %eq3A_2, %jit3A_3, %jit3A : i32
    %rem3A = vector.broadcast %select_n3A : i32 to vector<1000x128xi32>
    %rem3A_4 = arith.remsi %iota3A, %rem3A : vector<1000x128xi32>
    %ne3A = arith.constant 0 : i32
    %ne3A_5 = vector.broadcast %ne3A : i32 to vector<1000x128xi32>
    %ne3A_6 = arith.cmpi ne, %rem3A_4, %ne3A_5 : vector<1000x128xi32>
    %lt3A = arith.constant 0 : i32
    %lt3A_7 = vector.broadcast %lt3A : i32 to vector<1000x128xi32>
    %lt3A_8 = arith.cmpi slt, %rem3A_4, %lt3A_7 : vector<1000x128xi32>
    %lt3A_9 = arith.constant 0 : i32
    %lt3A_10 = arith.cmpi slt, %select_n3A, %lt3A_9 : i32
    %ne3A_11 = vector.broadcast %lt3A_10 : i1 to vector<1000x128xi1>
    %ne3A_12 = vector.broadcast %ne3A_11 : vector<1000x128xi1> to vector<1000x128xi1>
    %ne3A_13 = arith.xori %lt3A_8, %ne3A_12 : vector<1000x128xi1>
    %and3A = arith.andi %ne3A_13, %ne3A_6 : vector<1000x128xi1>
    %add3A = vector.broadcast %select_n3A : i32 to vector<1000x128xi32>
    %add3A_14 = arith.addi %rem3A_4, %add3A : vector<1000x128xi32>
    %select_n3A_15 = arith.select %and3A, %add3A_14, %rem3A_4 : vector<1000x128xi1>, vector<1000x128xi32>
    %eq3A_16 = vector.broadcast %get3A_1 : vector<1000x1xi32> to vector<1000x128xi32>
    %eq3A_17 = arith.cmpi eq, %select_n3A_15, %eq3A_16 : vector<1000x128xi32>
    %convert_element_type3A = arith.extui %eq3A_17 : vector<1000x128xi1> to vector<1000x128xi32>
    %convert_element_type3A_18 = arith.sitofp %convert_element_type3A : vector<1000x128xi32> to vector<1000x128xf32>
    %swap3A = arith.constant 0 : index
    %swap3A_19 = arith.constant 0 : index
    %swap3A_20 = vector.load %arg2[%swap3A, %swap3A_19] : memref<1000x128xf32, #tpu.memory_space<vmem>>, vector<1000x128xf32>
    tpu.vector_store %arg2[%swap3A, %swap3A_19], %convert_element_type3A_18 {strides = array<i32>} : memref<1000x128xf32, #tpu.memory_space<vmem>>, vector<1000x128xf32>,
    return
  }
  func.func @transform_0(%arg0: i32) -> (i32, i32) {
    %c0_i32 = arith.constant 0 : i32
    %c0_i32_0 = arith.constant 0 : i32
    return %arg0, %c0_i32 : i32, i32
  }
  func.func @transform_1(%arg0: i32) -> (i32, i32) {
    %c0_i32 = arith.constant 0 : i32
    %c0_i32_0 = arith.constant 0 : i32
    return %arg0, %c0_i32 : i32, i32
  }
}

module attributes {stable_mosaic.version = 14 : i64} {
  func.func @_flat_body(%arg0: i32, %arg1: memref<1000x128xf32, #tpu.memory_space<vmem>>, %arg2: memref<4x128x128xf32, #tpu.memory_space<vmem>>, %arg3: memref<4x1x128xf32, #tpu.memory_space<vmem>>, %arg4: memref<4x1000x128xf32, #tpu.memory_space<vmem>>) attributes {dimension_semantics = [#tpu.dimension_semantics<arbitrary>], iteration_bounds = array<i64: 10>, scalar_prefetch = 0 : i64, scratch_operands = 0 : i64, tpu.core_type = #tpu.core_type<tc>, window_params = [{transform_indices = @transform_0, window_bounds = array<i64: 1000, 128>}, {pipeline_mode = #tpu.pipeline_mode<synchronous>, transform_indices = @transform_1, window_bounds = array<i64: 4, 128, 128>}, {pipeline_mode = #tpu.pipeline_mode<synchronous>, transform_indices = @transform_2, window_bounds = array<i64: 4, 1, 128>}, {transform_indices = @transform_3, window_bounds = array<i64: 4, 1000, 128>}]} {
    %get3A = arith.constant 0 : index
    %get3A_0 = arith.constant 0 : index
    %get3A_1 = vector.load %arg1[%get3A, %get3A_0] : memref<1000x128xf32, #tpu.memory_space<vmem>>, vector<1000x128xf32>
    %get3A_2 = arith.constant 0 : index
    %get3A_3 = arith.constant 0 : index
    %get3A_4 = arith.constant 0 : index
    %get3A_5 = vector.load %arg2[%get3A_2, %get3A_3, %get3A_4] : memref<4x128x128xf32, #tpu.memory_space<vmem>>, vector<1x128x128xf32>
    %get3A_6 = vector.shape_cast %get3A_5 : vector<1x128x128xf32> to vector<128x128xf32>
    %dot_general3A = arith.constant dense<0.000000e+00> : vector<1000x128xf32>
    %dot_general3A_7 = tpu.matmul %get3A_1, %get3A_6, %dot_general3A {dimension_numbers = #tpu.dot_dimension_numbers<[1], [0], [0], [1], [0, 0, 1, 1], [], []>, transpose_lhs_hint = false} : vector<1000x128xf32>, vector<128x128xf32>, vector<1000x128xf32> -> vector<1000x128xf32>
    %get3A_8 = arith.constant 0 : index
    %get3A_9 = arith.constant 0 : index
    %get3A_10 = arith.constant 0 : index
    %get3A_11 = vector.load %arg3[%get3A_8, %get3A_9, %get3A_10] : memref<4x1x128xf32, #tpu.memory_space<vmem>>, vector<1x1x128xf32>
    %get3A_12 = vector.shape_cast %get3A_11 : vector<1x1x128xf32> to vector<1x128xf32>
    %add3A = vector.broadcast %get3A_12 : vector<1x128xf32> to vector<1000x128xf32>
    %add3A_13 = arith.addf %dot_general3A_7, %add3A : vector<1000x128xf32>
    %swap3A = arith.constant 0 : index
    %swap3A_14 = arith.constant 0 : index
    %swap3A_15 = arith.constant 0 : index
    %swap3A_16 = vector.load %arg4[%swap3A, %swap3A_14, %swap3A_15] : memref<4x1000x128xf32, #tpu.memory_space<vmem>>, vector<1x1000x128xf32>
    %swap3A_17 = vector.shape_cast %swap3A_16 : vector<1x1000x128xf32> to vector<1000x128xf32>
    %swap3A_18 = vector.shape_cast %add3A_13 : vector<1000x128xf32> to vector<1x1000x128xf32>
    tpu.vector_store %arg4[%swap3A, %swap3A_14, %swap3A_15], %swap3A_18 {strides = array<i32>} : memref<4x1000x128xf32, #tpu.memory_space<vmem>>, vector<1x1000x128xf32>,
    %get3A_19 = arith.constant 1 : index
    %get3A_20 = arith.constant 0 : index
    %get3A_21 = arith.constant 0 : index
    %get3A_22 = vector.load %arg2[%get3A_19, %get3A_20, %get3A_21] : memref<4x128x128xf32, #tpu.memory_space<vmem>>, vector<1x128x128xf32>
    %get3A_23 = vector.shape_cast %get3A_22 : vector<1x128x128xf32> to vector<128x128xf32>
    %dot_general3A_24 = arith.constant dense<0.000000e+00> : vector<1000x128xf32>
    %dot_general3A_25 = tpu.matmul %get3A_1, %get3A_23, %dot_general3A_24 {dimension_numbers = #tpu.dot_dimension_numbers<[1], [0], [0], [1], [0, 0, 1, 1], [], []>, transpose_lhs_hint = false} : vector<1000x128xf32>, vector<128x128xf32>, vector<1000x128xf32> -> vector<1000x128xf32>
    %get3A_26 = arith.constant 1 : index
    %get3A_27 = arith.constant 0 : index
    %get3A_28 = arith.constant 0 : index
    %get3A_29 = vector.load %arg3[%get3A_26, %get3A_27, %get3A_28] : memref<4x1x128xf32, #tpu.memory_space<vmem>>, vector<1x1x128xf32>
    %get3A_30 = vector.shape_cast %get3A_29 : vector<1x1x128xf32> to vector<1x128xf32>
    %add3A_31 = vector.broadcast %get3A_30 : vector<1x128xf32> to vector<1000x128xf32>
    %add3A_32 = arith.addf %dot_general3A_25, %add3A_31 : vector<1000x128xf32>
    %swap3A_33 = arith.constant 1 : index
    %swap3A_34 = arith.constant 0 : index
    %swap3A_35 = arith.constant 0 : index
    %swap3A_36 = vector.load %arg4[%swap3A_33, %swap3A_34, %swap3A_35] : memref<4x1000x128xf32, #tpu.memory_space<vmem>>, vector<1x1000x128xf32>
    %swap3A_37 = vector.shape_cast %swap3A_36 : vector<1x1000x128xf32> to vector<1000x128xf32>
    %swap3A_38 = vector.shape_cast %add3A_32 : vector<1000x128xf32> to vector<1x1000x128xf32>
    tpu.vector_store %arg4[%swap3A_33, %swap3A_34, %swap3A_35], %swap3A_38 {strides = array<i32>} : memref<4x1000x128xf32, #tpu.memory_space<vmem>>, vector<1x1000x128xf32>,
    %get3A_39 = arith.constant 2 : index
    %get3A_40 = arith.constant 0 : index
    %get3A_41 = arith.constant 0 : index
    %get3A_42 = vector.load %arg2[%get3A_39, %get3A_40, %get3A_41] : memref<4x128x128xf32, #tpu.memory_space<vmem>>, vector<1x128x128xf32>
    %get3A_43 = vector.shape_cast %get3A_42 : vector<1x128x128xf32> to vector<128x128xf32>
    %dot_general3A_44 = arith.constant dense<0.000000e+00> : vector<1000x128xf32>
    %dot_general3A_45 = tpu.matmul %get3A_1, %get3A_43, %dot_general3A_44 {dimension_numbers = #tpu.dot_dimension_numbers<[1], [0], [0], [1], [0, 0, 1, 1], [], []>, transpose_lhs_hint = false} : vector<1000x128xf32>, vector<128x128xf32>, vector<1000x128xf32> -> vector<1000x128xf32>
    %get3A_46 = arith.constant 2 : index
    %get3A_47 = arith.constant 0 : index
    %get3A_48 = arith.constant 0 : index
    %get3A_49 = vector.load %arg3[%get3A_46, %get3A_47, %get3A_48] : memref<4x1x128xf32, #tpu.memory_space<vmem>>, vector<1x1x128xf32>
    %get3A_50 = vector.shape_cast %get3A_49 : vector<1x1x128xf32> to vector<1x128xf32>
    %add3A_51 = vector.broadcast %get3A_50 : vector<1x128xf32> to vector<1000x128xf32>
    %add3A_52 = arith.addf %dot_general3A_45, %add3A_51 : vector<1000x128xf32>
    %swap3A_53 = arith.constant 2 : index
    %swap3A_54 = arith.constant 0 : index
    %swap3A_55 = arith.constant 0 : index
    %swap3A_56 = vector.load %arg4[%swap3A_53, %swap3A_54, %swap3A_55] : memref<4x1000x128xf32, #tpu.memory_space<vmem>>, vector<1x1000x128xf32>
    %swap3A_57 = vector.shape_cast %swap3A_56 : vector<1x1000x128xf32> to vector<1000x128xf32>
    %swap3A_58 = vector.shape_cast %add3A_52 : vector<1000x128xf32> to vector<1x1000x128xf32>
    tpu.vector_store %arg4[%swap3A_53, %swap3A_54, %swap3A_55], %swap3A_58 {strides = array<i32>} : memref<4x1000x128xf32, #tpu.memory_space<vmem>>, vector<1x1000x128xf32>,
    %get3A_59 = arith.constant 3 : index
    %get3A_60 = arith.constant 0 : index
    %get3A_61 = arith.constant 0 : index
    %get3A_62 = vector.load %arg2[%get3A_59, %get3A_60, %get3A_61] : memref<4x128x128xf32, #tpu.memory_space<vmem>>, vector<1x128x128xf32>
    %get3A_63 = vector.shape_cast %get3A_62 : vector<1x128x128xf32> to vector<128x128xf32>
    %dot_general3A_64 = arith.constant dense<0.000000e+00> : vector<1000x128xf32>
    %dot_general3A_65 = tpu.matmul %get3A_1, %get3A_63, %dot_general3A_64 {dimension_numbers = #tpu.dot_dimension_numbers<[1], [0], [0], [1], [0, 0, 1, 1], [], []>, transpose_lhs_hint = false} : vector<1000x128xf32>, vector<128x128xf32>, vector<1000x128xf32> -> vector<1000x128xf32>
    %get3A_66 = arith.constant 3 : index
    %get3A_67 = arith.constant 0 : index
    %get3A_68 = arith.constant 0 : index
    %get3A_69 = vector.load %arg3[%get3A_66, %get3A_67, %get3A_68] : memref<4x1x128xf32, #tpu.memory_space<vmem>>, vector<1x1x128xf32>
    %get3A_70 = vector.shape_cast %get3A_69 : vector<1x1x128xf32> to vector<1x128xf32>
    %add3A_71 = vector.broadcast %get3A_70 : vector<1x128xf32> to vector<1000x128xf32>
    %add3A_72 = arith.addf %dot_general3A_65, %add3A_71 : vector<1000x128xf32>
    %swap3A_73 = arith.constant 3 : index
    %swap3A_74 = arith.constant 0 : index
    %swap3A_75 = arith.constant 0 : index
    %swap3A_76 = vector.load %arg4[%swap3A_73, %swap3A_74, %swap3A_75] : memref<4x1000x128xf32, #tpu.memory_space<vmem>>, vector<1x1000x128xf32>
    %swap3A_77 = vector.shape_cast %swap3A_76 : vector<1x1000x128xf32> to vector<1000x128xf32>
    %swap3A_78 = vector.shape_cast %add3A_72 : vector<1000x128xf32> to vector<1x1000x128xf32>
    tpu.vector_store %arg4[%swap3A_73, %swap3A_74, %swap3A_75], %swap3A_78 {strides = array<i32>} : memref<4x1000x128xf32, #tpu.memory_space<vmem>>, vector<1x1000x128xf32>,
    return
  }
  func.func @transform_0(%arg0: i32) -> (i32, i32) {
    %c0_i32 = arith.constant 0 : i32
    %c0_i32_0 = arith.constant 0 : i32
    return %arg0, %c0_i32 : i32, i32
  }
  func.func @transform_1(%arg0: i32) -> (i32, i32, i32) {
    %c0_i32 = arith.constant 0 : i32
    %c0_i32_0 = arith.constant 0 : i32
    %c0_i32_1 = arith.constant 0 : i32
    %c0_i32_2 = arith.constant 0 : i32
    return %c0_i32, %c0_i32_0, %c0_i32_1 : i32, i32, i32
  }
  func.func @transform_2(%arg0: i32) -> (i32, i32, i32) {
    %c0_i32 = arith.constant 0 : i32
    %c0_i32_0 = arith.constant 0 : i32
    %c0_i32_1 = arith.constant 0 : i32
    %c0_i32_2 = arith.constant 0 : i32
    return %c0_i32, %c0_i32_0, %c0_i32_1 : i32, i32, i32
  }
  func.func @transform_3(%arg0: i32) -> (i32, i32, i32) {
    %c0_i32 = arith.constant 0 : i32
    %c0_i32_0 = arith.constant 0 : i32
    %c0_i32_1 = arith.constant 0 : i32
    return %c0_i32, %arg0, %c0_i32_0 : i32, i32, i32
  }
}

module attributes {stable_mosaic.version = 14 : i64} {
  func.func @_gru_body(%arg0: i32, %arg1: memref<1000x128xf32, #tpu.memory_space<vmem>>, %arg2: memref<1000x128xf32, #tpu.memory_space<vmem>>, %arg3: memref<1000x128xf32, #tpu.memory_space<vmem>>, %arg4: memref<128x384xf32, #tpu.memory_space<vmem>>, %arg5: memref<128x384xf32, #tpu.memory_space<vmem>>, %arg6: memref<1x384xf32, #tpu.memory_space<vmem>>, %arg7: memref<1x384xf32, #tpu.memory_space<vmem>>, %arg8: memref<1000x128xf32, #tpu.memory_space<vmem>>) attributes {dimension_semantics = [#tpu.dimension_semantics<arbitrary>], iteration_bounds = array<i64: 10>, scalar_prefetch = 0 : i64, scratch_operands = 0 : i64, tpu.core_type = #tpu.core_type<tc>, window_params = [{transform_indices = @transform_0, window_bounds = array<i64: 1000, 128>}, {transform_indices = @transform_1, window_bounds = array<i64: 1000, 128>}, {transform_indices = @transform_2, window_bounds = array<i64: 1000, 128>}, {pipeline_mode = #tpu.pipeline_mode<synchronous>, transform_indices = @transform_3, window_bounds = array<i64: 128, 384>}, {pipeline_mode = #tpu.pipeline_mode<synchronous>, transform_indices = @transform_4, window_bounds = array<i64: 128, 384>}, {pipeline_mode = #tpu.pipeline_mode<synchronous>, transform_indices = @transform_5, window_bounds = array<i64: 1, 384>}, {pipeline_mode = #tpu.pipeline_mode<synchronous>, transform_indices = @transform_6, window_bounds = array<i64: 1, 384>}, {transform_indices = @transform_7, window_bounds = array<i64: 1000, 128>}]} {
    %get3A = arith.constant 0 : index
    %get3A_0 = arith.constant 0 : index
    %get3A_1 = vector.load %arg1[%get3A, %get3A_0] : memref<1000x128xf32, #tpu.memory_space<vmem>>, vector<1000x128xf32>
    %get3A_2 = arith.constant 0 : index
    %get3A_3 = arith.constant 0 : index
    %get3A_4 = vector.load %arg2[%get3A_2, %get3A_3] : memref<1000x128xf32, #tpu.memory_space<vmem>>, vector<1000x128xf32>
    %get3A_5 = arith.constant 0 : index
    %get3A_6 = arith.constant 0 : index
    %get3A_7 = vector.load %arg3[%get3A_5, %get3A_6] : memref<1000x128xf32, #tpu.memory_space<vmem>>, vector<1000x128xf32>
    %add3A = arith.addf %get3A_4, %get3A_7 : vector<1000x128xf32>
    %get3A_8 = arith.constant 0 : index
    %get3A_9 = arith.constant 0 : index
    %get3A_10 = vector.load %arg4[%get3A_8, %get3A_9] : memref<128x384xf32, #tpu.memory_space<vmem>>, vector<128x384xf32>
    %dot_general3A = arith.constant dense<0.000000e+00> : vector<1000x384xf32>
    %dot_general3A_11 = tpu.matmul %get3A_1, %get3A_10, %dot_general3A {dimension_numbers = #tpu.dot_dimension_numbers<[1], [0], [0], [1], [0, 0, 1, 1], [], []>, transpose_lhs_hint = false} : vector<1000x128xf32>, vector<128x384xf32>, vector<1000x384xf32> -> vector<1000x384xf32>
    %get3A_12 = arith.constant 0 : index
    %get3A_13 = arith.constant 0 : index
    %get3A_14 = vector.load %arg6[%get3A_12, %get3A_13] : memref<1x384xf32, #tpu.memory_space<vmem>>, vector<1x384xf32>
    %add3A_15 = vector.broadcast %get3A_14 : vector<1x384xf32> to vector<1000x384xf32>
    %add3A_16 = arith.addf %dot_general3A_11, %add3A_15 : vector<1000x384xf32>
    %get3A_17 = arith.constant 0 : index
    %get3A_18 = arith.constant 0 : index
    %get3A_19 = vector.load %arg5[%get3A_17, %get3A_18] : memref<128x384xf32, #tpu.memory_space<vmem>>, vector<128x384xf32>
    %dot_general3A_20 = arith.constant dense<0.000000e+00> : vector<1000x384xf32>
    %dot_general3A_21 = tpu.matmul %add3A, %get3A_19, %dot_general3A_20 {dimension_numbers = #tpu.dot_dimension_numbers<[1], [0], [0], [1], [0, 0, 1, 1], [], []>, transpose_lhs_hint = false} : vector<1000x128xf32>, vector<128x384xf32>, vector<1000x384xf32> -> vector<1000x384xf32>
    %get3A_22 = arith.constant 0 : index
    %get3A_23 = arith.constant 0 : index
    %get3A_24 = vector.load %arg7[%get3A_22, %get3A_23] : memref<1x384xf32, #tpu.memory_space<vmem>>, vector<1x384xf32>
    %add3A_25 = vector.broadcast %get3A_24 : vector<1x384xf32> to vector<1000x384xf32>
    %add3A_26 = arith.addf %dot_general3A_21, %add3A_25 : vector<1000x384xf32>
    %slice3A = vector.extract_strided_slice %add3A_16 {offsets = [0, 0], sizes = [1000, 128], strides = [1, 1]} : vector<1000x384xf32> to vector<1000x128xf32>
    %slice3A_27 = vector.extract_strided_slice %add3A_26 {offsets = [0, 0], sizes = [1000, 128], strides = [1, 1]} : vector<1000x384xf32> to vector<1000x128xf32>
    %add3A_28 = arith.addf %slice3A, %slice3A_27 : vector<1000x128xf32>
    %logistic3A = arith.negf %add3A_28 : vector<1000x128xf32>
    %logistic3A_29 = math.exp %logistic3A : vector<1000x128xf32>
    %logistic3A_30 = arith.constant 1.000000e+00 : f32
    %logistic3A_31 = vector.broadcast %logistic3A_30 : f32 to vector<1000x128xf32>
    %logistic3A_32 = arith.addf %logistic3A_31, %logistic3A_29 : vector<1000x128xf32>
    %logistic3A_33 = arith.divf %logistic3A_31, %logistic3A_32 : vector<1000x128xf32>
    %slice3A_34 = vector.extract_strided_slice %add3A_16 {offsets = [0, 128], sizes = [1000, 128], strides = [1, 1]} : vector<1000x384xf32> to vector<1000x128xf32>
    %slice3A_35 = vector.extract_strided_slice %add3A_26 {offsets = [0, 128], sizes = [1000, 128], strides = [1, 1]} : vector<1000x384xf32> to vector<1000x128xf32>
    %add3A_36 = arith.addf %slice3A_34, %slice3A_35 : vector<1000x128xf32>
    %logistic3A_37 = arith.negf %add3A_36 : vector<1000x128xf32>
    %logistic3A_38 = math.exp %logistic3A_37 : vector<1000x128xf32>
    %logistic3A_39 = arith.constant 1.000000e+00 : f32
    %logistic3A_40 = vector.broadcast %logistic3A_39 : f32 to vector<1000x128xf32>
    %logistic3A_41 = arith.addf %logistic3A_40, %logistic3A_38 : vector<1000x128xf32>
    %logistic3A_42 = arith.divf %logistic3A_40, %logistic3A_41 : vector<1000x128xf32>
    %slice3A_43 = vector.extract_strided_slice %add3A_16 {offsets = [0, 256], sizes = [1000, 128], strides = [1, 1]} : vector<1000x384xf32> to vector<1000x128xf32>
    %slice3A_44 = vector.extract_strided_slice %add3A_26 {offsets = [0, 256], sizes = [1000, 128], strides = [1, 1]} : vector<1000x384xf32> to vector<1000x128xf32>
    %mul3A = arith.mulf %logistic3A_33, %slice3A_44 : vector<1000x128xf32>
    %add3A_45 = arith.addf %slice3A_43, %mul3A : vector<1000x128xf32>
    %tanh3A = math.tanh %add3A_45 : vector<1000x128xf32>
    %sub3A = arith.constant 1.000000e+00 : f32
    %sub3A_46 = vector.broadcast %sub3A : f32 to vector<1000x128xf32>
    %sub3A_47 = arith.subf %sub3A_46, %logistic3A_42 : vector<1000x128xf32>
    %mul3A_48 = arith.mulf %sub3A_47, %tanh3A : vector<1000x128xf32>
    %mul3A_49 = arith.mulf %logistic3A_42, %add3A : vector<1000x128xf32>
    %add3A_50 = arith.addf %mul3A_48, %mul3A_49 : vector<1000x128xf32>
    %swap3A = arith.constant 0 : index
    %swap3A_51 = arith.constant 0 : index
    %swap3A_52 = vector.load %arg8[%swap3A, %swap3A_51] : memref<1000x128xf32, #tpu.memory_space<vmem>>, vector<1000x128xf32>
    tpu.vector_store %arg8[%swap3A, %swap3A_51], %add3A_50 {strides = array<i32>} : memref<1000x128xf32, #tpu.memory_space<vmem>>, vector<1000x128xf32>,
    return
  }
  func.func @transform_0(%arg0: i32) -> (i32, i32) {
    %c0_i32 = arith.constant 0 : i32
    %c0_i32_0 = arith.constant 0 : i32
    return %arg0, %c0_i32 : i32, i32
  }
  func.func @transform_1(%arg0: i32) -> (i32, i32) {
    %c0_i32 = arith.constant 0 : i32
    %c0_i32_0 = arith.constant 0 : i32
    return %arg0, %c0_i32 : i32, i32
  }
  func.func @transform_2(%arg0: i32) -> (i32, i32) {
    %c0_i32 = arith.constant 0 : i32
    %c0_i32_0 = arith.constant 0 : i32
    return %arg0, %c0_i32 : i32, i32
  }
  func.func @transform_3(%arg0: i32) -> (i32, i32) {
    %c0_i32 = arith.constant 0 : i32
    %c0_i32_0 = arith.constant 0 : i32
    %c0_i32_1 = arith.constant 0 : i32
    return %c0_i32, %c0_i32_0 : i32, i32
  }
  func.func @transform_4(%arg0: i32) -> (i32, i32) {
    %c0_i32 = arith.constant 0 : i32
    %c0_i32_0 = arith.constant 0 : i32
    %c0_i32_1 = arith.constant 0 : i32
    return %c0_i32, %c0_i32_0 : i32, i32
  }
  func.func @transform_5(%arg0: i32) -> (i32, i32) {
    %c0_i32 = arith.constant 0 : i32
    %c0_i32_0 = arith.constant 0 : i32
    %c0_i32_1 = arith.constant 0 : i32
    return %c0_i32, %c0_i32_0 : i32, i32
  }
  func.func @transform_6(%arg0: i32) -> (i32, i32) {
    %c0_i32 = arith.constant 0 : i32
    %c0_i32_0 = arith.constant 0 : i32
    %c0_i32_1 = arith.constant 0 : i32
    return %c0_i32, %c0_i32_0 : i32, i32
  }
  func.func @transform_7(%arg0: i32) -> (i32, i32) {
    %c0_i32 = arith.constant 0 : i32
    %c0_i32_0 = arith.constant 0 : i32
    return %arg0, %c0_i32 : i32, i32
  }
}

module attributes {stable_mosaic.version = 14 : i64} {
  func.func @_heads_body(%arg0: i32, %arg1: memref<1000x128xf32, #tpu.memory_space<vmem>>, %arg2: memref<1000x128xf32, #tpu.memory_space<vmem>>, %arg3: memref<256x128xf32, #tpu.memory_space<vmem>>, %arg4: memref<1x128xf32, #tpu.memory_space<vmem>>, %arg5: memref<128x2xf32, #tpu.memory_space<vmem>>, %arg6: memref<1x2xf32, #tpu.memory_space<vmem>>, %arg7: memref<128x128xf32, #tpu.memory_space<vmem>>, %arg8: memref<1x128xf32, #tpu.memory_space<vmem>>, %arg9: memref<128x2xf32, #tpu.memory_space<vmem>>, %arg10: memref<1x2xf32, #tpu.memory_space<vmem>>, %arg11: memref<256x128xf32, #tpu.memory_space<vmem>>, %arg12: memref<1x128xf32, #tpu.memory_space<vmem>>, %arg13: memref<128x1xf32, #tpu.memory_space<vmem>>, %arg14: memref<1x1xf32, #tpu.memory_space<vmem>>, %arg15: memref<128x128xf32, #tpu.memory_space<vmem>>, %arg16: memref<1x128xf32, #tpu.memory_space<vmem>>, %arg17: memref<128x1xf32, #tpu.memory_space<vmem>>, %arg18: memref<1x1xf32, #tpu.memory_space<vmem>>, %arg19: memref<1x2xf32, #tpu.memory_space<vmem>>, %arg20: memref<1x1xf32, #tpu.memory_space<vmem>>) attributes {dimension_semantics = [#tpu.dimension_semantics<arbitrary>], iteration_bounds = array<i64: 10>, scalar_prefetch = 0 : i64, scratch_operands = 0 : i64, tpu.core_type = #tpu.core_type<tc>, window_params = [{transform_indices = @transform_0, window_bounds = array<i64: 1000, 128>}, {transform_indices = @transform_1, window_bounds = array<i64: 1000, 128>}, {pipeline_mode = #tpu.pipeline_mode<synchronous>, transform_indices = @transform_2, window_bounds = array<i64: 256, 128>}, {pipeline_mode = #tpu.pipeline_mode<synchronous>, transform_indices = @transform_3, window_bounds = array<i64: 1, 128>}, {pipeline_mode = #tpu.pipeline_mode<synchronous>, transform_indices = @transform_4, window_bounds = array<i64: 128, 2>}, {pipeline_mode = #tpu.pipeline_mode<synchronous>, transform_indices = @transform_5, window_bounds = array<i64: 1, 2>}, {pipeline_mode = #tpu.pipeline_mode<synchronous>, transform_indices = @transform_6, window_bounds = array<i64: 128, 128>}, {pipeline_mode = #tpu.pipeline_mode<synchronous>, transform_indices = @transform_7, window_bounds = array<i64: 1, 128>}, {pipeline_mode = #tpu.pipeline_mode<synchronous>, transform_indices = @transform_8, window_bounds = array<i64: 128, 2>}, {pipeline_mode = #tpu.pipeline_mode<synchronous>, transform_indices = @transform_9, window_bounds = array<i64: 1, 2>}, {pipeline_mode = #tpu.pipeline_mode<synchronous>, transform_indices = @transform_10, window_bounds = array<i64: 256, 128>}, {pipeline_mode = #tpu.pipeline_mode<synchronous>, transform_indices = @transform_11, window_bounds = array<i64: 1, 128>}, {pipeline_mode = #tpu.pipeline_mode<synchronous>, transform_indices = @transform_12, window_bounds = array<i64: 128, 1>}, {pipeline_mode = #tpu.pipeline_mode<synchronous>, transform_indices = @transform_13, window_bounds = array<i64: 1, 1>}, {pipeline_mode = #tpu.pipeline_mode<synchronous>, transform_indices = @transform_14, window_bounds = array<i64: 128, 128>}, {pipeline_mode = #tpu.pipeline_mode<synchronous>, transform_indices = @transform_15, window_bounds = array<i64: 1, 128>}, {pipeline_mode = #tpu.pipeline_mode<synchronous>, transform_indices = @transform_16, window_bounds = array<i64: 128, 1>}, {pipeline_mode = #tpu.pipeline_mode<synchronous>, transform_indices = @transform_17, window_bounds = array<i64: 1, 1>}, {pipeline_mode = #tpu.pipeline_mode<synchronous>, transform_indices = @transform_18, window_bounds = array<i64: 1, 2>}, {pipeline_mode = #tpu.pipeline_mode<synchronous>, transform_indices = @transform_19, window_bounds = array<i64: 1, 1>}]} {
    %eq3A = arith.constant 0 : i32
    %eq3A_0 = arith.cmpi eq, %arg0, %eq3A : i32
    %convert_element_type3A = arith.extui %eq3A_0 : i1 to i32
    %cond3A = arith.constant 0 : i32
    %cond3A_1 = arith.cmpi ne, %convert_element_type3A, %cond3A : i32
    scf.if %cond3A_1 {
      %broadcast_in_dim3A_122 = arith.constant 0.000000e+00 : f32
      %broadcast_in_dim3A_123 = vector.broadcast %broadcast_in_dim3A_122 : f32 to vector<1x2xf32>
      %swap3A_124 = arith.constant 0 : index
      %swap3A_125 = arith.constant 0 : index
      %swap3A_126 = vector.load %arg19[%swap3A_124, %swap3A_125] : memref<1x2xf32, #tpu.memory_space<vmem>>, vector<1x2xf32>
      tpu.vector_store %arg19[%swap3A_124, %swap3A_125], %broadcast_in_dim3A_123 {strides = array<i32>} : memref<1x2xf32, #tpu.memory_space<vmem>>, vector<1x2xf32>,
      %broadcast_in_dim3A_127 = arith.constant 0.000000e+00 : f32
      %broadcast_in_dim3A_128 = vector.broadcast %broadcast_in_dim3A_127 : f32 to vector<1x1xf32>
      %swap3A_129 = arith.constant 0 : index
      %swap3A_130 = arith.constant 0 : index
      %swap3A_131 = vector.load %arg20[%swap3A_129, %swap3A_130] : memref<1x1xf32, #tpu.memory_space<vmem>>, vector<1x1xf32>
      tpu.vector_store %arg20[%swap3A_129, %swap3A_130], %broadcast_in_dim3A_128 {strides = array<i32>} : memref<1x1xf32, #tpu.memory_space<vmem>>, vector<1x1xf32>,
    } else {
    }
    %get3A = arith.constant 0 : index
    %get3A_2 = arith.constant 0 : index
    %get3A_3 = vector.load %arg1[%get3A, %get3A_2] : memref<1000x128xf32, #tpu.memory_space<vmem>>, vector<1000x128xf32>
    %get3A_4 = arith.constant 0 : index
    %get3A_5 = arith.constant 0 : index
    %get3A_6 = vector.load %arg2[%get3A_4, %get3A_5] : memref<1000x128xf32, #tpu.memory_space<vmem>>, vector<1000x128xf32>
    %concatenate3A = tpu.concatenate %get3A_3, %get3A_6 in 1 : vector<1000x128xf32>, vector<1000x128xf32> -> vector<1000x256xf32>
    %get3A_7 = arith.constant 0 : index
    %get3A_8 = arith.constant 0 : index
    %get3A_9 = vector.load %arg3[%get3A_7, %get3A_8] : memref<256x128xf32, #tpu.memory_space<vmem>>, vector<256x128xf32>
    %dot_general3A = arith.constant dense<0.000000e+00> : vector<1000x128xf32>
    %dot_general3A_10 = tpu.matmul %concatenate3A, %get3A_9, %dot_general3A {dimension_numbers = #tpu.dot_dimension_numbers<[1], [0], [0], [1], [0, 0, 1, 1], [], []>, transpose_lhs_hint = false} : vector<1000x256xf32>, vector<256x128xf32>, vector<1000x128xf32> -> vector<1000x128xf32>
    %get3A_11 = arith.constant 0 : index
    %get3A_12 = arith.constant 0 : index
    %get3A_13 = vector.load %arg4[%get3A_11, %get3A_12] : memref<1x128xf32, #tpu.memory_space<vmem>>, vector<1x128xf32>
    %add3A = vector.broadcast %get3A_13 : vector<1x128xf32> to vector<1000x128xf32>
    %add3A_14 = arith.addf %dot_general3A_10, %add3A : vector<1000x128xf32>
    %tanh3A = math.tanh %add3A_14 : vector<1000x128xf32>
    %get3A_15 = arith.constant 0 : index
    %get3A_16 = arith.constant 0 : index
    %get3A_17 = vector.load %arg5[%get3A_15, %get3A_16] : memref<128x2xf32, #tpu.memory_space<vmem>>, vector<128x2xf32>
    %dot_general3A_18 = arith.constant dense<0.000000e+00> : vector<1000x2xf32>
    %dot_general3A_19 = tpu.matmul %tanh3A, %get3A_17, %dot_general3A_18 {dimension_numbers = #tpu.dot_dimension_numbers<[1], [0], [0], [1], [0, 0, 1, 1], [], []>, transpose_lhs_hint = false} : vector<1000x128xf32>, vector<128x2xf32>, vector<1000x2xf32> -> vector<1000x2xf32>
    %get3A_20 = arith.constant 0 : index
    %get3A_21 = arith.constant 0 : index
    %get3A_22 = vector.load %arg6[%get3A_20, %get3A_21] : memref<1x2xf32, #tpu.memory_space<vmem>>, vector<1x2xf32>
    %add3A_23 = vector.broadcast %get3A_22 : vector<1x2xf32> to vector<1000x2xf32>
    %add3A_24 = arith.addf %dot_general3A_19, %add3A_23 : vector<1000x2xf32>
    %get3A_25 = arith.constant 0 : index
    %get3A_26 = arith.constant 0 : index
    %get3A_27 = vector.load %arg7[%get3A_25, %get3A_26] : memref<128x128xf32, #tpu.memory_space<vmem>>, vector<128x128xf32>
    %dot_general3A_28 = arith.constant dense<0.000000e+00> : vector<1000x128xf32>
    %dot_general3A_29 = tpu.matmul %get3A_6, %get3A_27, %dot_general3A_28 {dimension_numbers = #tpu.dot_dimension_numbers<[1], [0], [0], [1], [0, 0, 1, 1], [], []>, transpose_lhs_hint = false} : vector<1000x128xf32>, vector<128x128xf32>, vector<1000x128xf32> -> vector<1000x128xf32>
    %get3A_30 = arith.constant 0 : index
    %get3A_31 = arith.constant 0 : index
    %get3A_32 = vector.load %arg8[%get3A_30, %get3A_31] : memref<1x128xf32, #tpu.memory_space<vmem>>, vector<1x128xf32>
    %add3A_33 = vector.broadcast %get3A_32 : vector<1x128xf32> to vector<1000x128xf32>
    %add3A_34 = arith.addf %dot_general3A_29, %add3A_33 : vector<1000x128xf32>
    %tanh3A_35 = math.tanh %add3A_34 : vector<1000x128xf32>
    %get3A_36 = arith.constant 0 : index
    %get3A_37 = arith.constant 0 : index
    %get3A_38 = vector.load %arg9[%get3A_36, %get3A_37] : memref<128x2xf32, #tpu.memory_space<vmem>>, vector<128x2xf32>
    %dot_general3A_39 = arith.constant dense<0.000000e+00> : vector<1000x2xf32>
    %dot_general3A_40 = tpu.matmul %tanh3A_35, %get3A_38, %dot_general3A_39 {dimension_numbers = #tpu.dot_dimension_numbers<[1], [0], [0], [1], [0, 0, 1, 1], [], []>, transpose_lhs_hint = false} : vector<1000x128xf32>, vector<128x2xf32>, vector<1000x2xf32> -> vector<1000x2xf32>
    %get3A_41 = arith.constant 0 : index
    %get3A_42 = arith.constant 0 : index
    %get3A_43 = vector.load %arg10[%get3A_41, %get3A_42] : memref<1x2xf32, #tpu.memory_space<vmem>>, vector<1x2xf32>
    %add3A_44 = vector.broadcast %get3A_43 : vector<1x2xf32> to vector<1000x2xf32>
    %add3A_45 = arith.addf %dot_general3A_40, %add3A_44 : vector<1000x2xf32>
    %get3A_46 = arith.constant 0 : index
    %get3A_47 = arith.constant 0 : index
    %get3A_48 = vector.load %arg11[%get3A_46, %get3A_47] : memref<256x128xf32, #tpu.memory_space<vmem>>, vector<256x128xf32>
    %dot_general3A_49 = arith.constant dense<0.000000e+00> : vector<1000x128xf32>
    %dot_general3A_50 = tpu.matmul %concatenate3A, %get3A_48, %dot_general3A_49 {dimension_numbers = #tpu.dot_dimension_numbers<[1], [0], [0], [1], [0, 0, 1, 1], [], []>, transpose_lhs_hint = false} : vector<1000x256xf32>, vector<256x128xf32>, vector<1000x128xf32> -> vector<1000x128xf32>
    %get3A_51 = arith.constant 0 : index
    %get3A_52 = arith.constant 0 : index
    %get3A_53 = vector.load %arg12[%get3A_51, %get3A_52] : memref<1x128xf32, #tpu.memory_space<vmem>>, vector<1x128xf32>
    %add3A_54 = vector.broadcast %get3A_53 : vector<1x128xf32> to vector<1000x128xf32>
    %add3A_55 = arith.addf %dot_general3A_50, %add3A_54 : vector<1000x128xf32>
    %tanh3A_56 = math.tanh %add3A_55 : vector<1000x128xf32>
    %get3A_57 = arith.constant 0 : index
    %get3A_58 = arith.constant 0 : index
    %get3A_59 = vector.load %arg13[%get3A_57, %get3A_58] : memref<128x1xf32, #tpu.memory_space<vmem>>, vector<128x1xf32>
    %dot_general3A_60 = arith.constant dense<0.000000e+00> : vector<1000x1xf32>
    %dot_general3A_61 = tpu.matmul %tanh3A_56, %get3A_59, %dot_general3A_60 {dimension_numbers = #tpu.dot_dimension_numbers<[1], [0], [0], [1], [0, 0, 1, 1], [], []>, transpose_lhs_hint = false} : vector<1000x128xf32>, vector<128x1xf32>, vector<1000x1xf32> -> vector<1000x1xf32>
    %get3A_62 = arith.constant 0 : index
    %get3A_63 = arith.constant 0 : index
    %get3A_64 = vector.load %arg14[%get3A_62, %get3A_63] : memref<1x1xf32, #tpu.memory_space<vmem>>, vector<1x1xf32>
    %add3A_65 = vector.broadcast %get3A_64 : vector<1x1xf32> to vector<1000x1xf32>
    %add3A_66 = arith.addf %dot_general3A_61, %add3A_65 : vector<1000x1xf32>
    %get3A_67 = arith.constant 0 : index
    %get3A_68 = arith.constant 0 : index
    %get3A_69 = vector.load %arg15[%get3A_67, %get3A_68] : memref<128x128xf32, #tpu.memory_space<vmem>>, vector<128x128xf32>
    %dot_general3A_70 = arith.constant dense<0.000000e+00> : vector<1000x128xf32>
    %dot_general3A_71 = tpu.matmul %get3A_6, %get3A_69, %dot_general3A_70 {dimension_numbers = #tpu.dot_dimension_numbers<[1], [0], [0], [1], [0, 0, 1, 1], [], []>, transpose_lhs_hint = false} : vector<1000x128xf32>, vector<128x128xf32>, vector<1000x128xf32> -> vector<1000x128xf32>
    %get3A_72 = arith.constant 0 : index
    %get3A_73 = arith.constant 0 : index
    %get3A_74 = vector.load %arg16[%get3A_72, %get3A_73] : memref<1x128xf32, #tpu.memory_space<vmem>>, vector<1x128xf32>
    %add3A_75 = vector.broadcast %get3A_74 : vector<1x128xf32> to vector<1000x128xf32>
    %add3A_76 = arith.addf %dot_general3A_71, %add3A_75 : vector<1000x128xf32>
    %tanh3A_77 = math.tanh %add3A_76 : vector<1000x128xf32>
    %get3A_78 = arith.constant 0 : index
    %get3A_79 = arith.constant 0 : index
    %get3A_80 = vector.load %arg17[%get3A_78, %get3A_79] : memref<128x1xf32, #tpu.memory_space<vmem>>, vector<128x1xf32>
    %dot_general3A_81 = arith.constant dense<0.000000e+00> : vector<1000x1xf32>
    %dot_general3A_82 = tpu.matmul %tanh3A_77, %get3A_80, %dot_general3A_81 {dimension_numbers = #tpu.dot_dimension_numbers<[1], [0], [0], [1], [0, 0, 1, 1], [], []>, transpose_lhs_hint = false} : vector<1000x128xf32>, vector<128x1xf32>, vector<1000x1xf32> -> vector<1000x1xf32>
    %get3A_83 = arith.constant 0 : index
    %get3A_84 = arith.constant 0 : index
    %get3A_85 = vector.load %arg18[%get3A_83, %get3A_84] : memref<1x1xf32, #tpu.memory_space<vmem>>, vector<1x1xf32>
    %add3A_86 = vector.broadcast %get3A_85 : vector<1x1xf32> to vector<1000x1xf32>
    %add3A_87 = arith.addf %dot_general3A_82, %add3A_86 : vector<1000x1xf32>
    %get3A_88 = arith.constant 0 : index
    %get3A_89 = arith.constant 0 : index
    %get3A_90 = vector.load %arg19[%get3A_88, %get3A_89] : memref<1x2xf32, #tpu.memory_space<vmem>>, vector<1x2xf32>
    %logistic3A = arith.negf %add3A_24 : vector<1000x2xf32>
    %logistic3A_91 = math.exp %logistic3A : vector<1000x2xf32>
    %logistic3A_92 = arith.constant 1.000000e+00 : f32
    %logistic3A_93 = vector.broadcast %logistic3A_92 : f32 to vector<1000x2xf32>
    %logistic3A_94 = arith.addf %logistic3A_93, %logistic3A_91 : vector<1000x2xf32>
    %logistic3A_95 = arith.divf %logistic3A_93, %logistic3A_94 : vector<1000x2xf32>
    %mul3A = arith.mulf %logistic3A_95, %add3A_45 : vector<1000x2xf32>
    %reduce_sum3A = arith.constant dense<0.000000e+00> : vector<2xf32>
    %reduce_sum3A_96 = vector.multi_reduction <add>, %mul3A, %reduce_sum3A [0] : vector<1000x2xf32> to vector<2xf32>
    %broadcast_in_dim3A = vector.shape_cast %reduce_sum3A_96 : vector<2xf32> to vector<1x2xf32>
    %add3A_97 = arith.addf %get3A_90, %broadcast_in_dim3A : vector<1x2xf32>
    %swap3A = arith.constant 0 : index
    %swap3A_98 = arith.constant 0 : index
    %swap3A_99 = vector.load %arg19[%swap3A, %swap3A_98] : memref<1x2xf32, #tpu.memory_space<vmem>>, vector<1x2xf32>
    tpu.vector_store %arg19[%swap3A, %swap3A_98], %add3A_97 {strides = array<i32>} : memref<1x2xf32, #tpu.memory_space<vmem>>, vector<1x2xf32>,
    %get3A_100 = arith.constant 0 : index
    %get3A_101 = arith.constant 0 : index
    %get3A_102 = vector.load %arg20[%get3A_100, %get3A_101] : memref<1x1xf32, #tpu.memory_space<vmem>>, vector<1x1xf32>
    %logistic3A_103 = arith.negf %add3A_66 : vector<1000x1xf32>
    %logistic3A_104 = math.exp %logistic3A_103 : vector<1000x1xf32>
    %logistic3A_105 = arith.constant 1.000000e+00 : f32
    %logistic3A_106 = vector.broadcast %logistic3A_105 : f32 to vector<1000x1xf32>
    %logistic3A_107 = arith.addf %logistic3A_106, %logistic3A_104 : vector<1000x1xf32>
    %logistic3A_108 = arith.divf %logistic3A_106, %logistic3A_107 : vector<1000x1xf32>
    %mul3A_109 = arith.mulf %logistic3A_108, %add3A_87 : vector<1000x1xf32>
    %reduce_sum3A_110 = arith.constant dense<0.000000e+00> : vector<1xf32>
    %reduce_sum3A_111 = vector.multi_reduction <add>, %mul3A_109, %reduce_sum3A_110 [0] : vector<1000x1xf32> to vector<1xf32>
    %broadcast_in_dim3A_112 = vector.shape_cast %reduce_sum3A_111 : vector<1xf32> to vector<1x1xf32>
    %add3A_113 = arith.addf %get3A_102, %broadcast_in_dim3A_112 : vector<1x1xf32>
    %swap3A_114 = arith.constant 0 : index
    %swap3A_115 = arith.constant 0 : index
    %swap3A_116 = vector.load %arg20[%swap3A_114, %swap3A_115] : memref<1x1xf32, #tpu.memory_space<vmem>>, vector<1x1xf32>
    tpu.vector_store %arg20[%swap3A_114, %swap3A_115], %add3A_113 {strides = array<i32>} : memref<1x1xf32, #tpu.memory_space<vmem>>, vector<1x1xf32>,
    %eq3A_117 = arith.constant 9 : i32
    %eq3A_118 = arith.cmpi eq, %arg0, %eq3A_117 : i32
    %convert_element_type3A_119 = arith.extui %eq3A_118 : i1 to i32
    %cond3A_120 = arith.constant 0 : i32
    %cond3A_121 = arith.cmpi ne, %convert_element_type3A_119, %cond3A_120 : i32
    scf.if %cond3A_121 {
      %get3A_122 = arith.constant 0 : index
      %get3A_123 = arith.constant 0 : index
      %get3A_124 = vector.load %arg19[%get3A_122, %get3A_123] : memref<1x2xf32, #tpu.memory_space<vmem>>, vector<1x2xf32>
      %reduce_max3A = arith.constant dense<0xFF800000> : vector<1xf32>
      %reduce_max3A_125 = vector.multi_reduction <maximumf>, %get3A_124, %reduce_max3A [1] : vector<1x2xf32> to vector<1xf32>
      %broadcast_in_dim3A_126 = vector.shape_cast %reduce_max3A_125 : vector<1xf32> to vector<1x1xf32>
      %sub3A = vector.broadcast %broadcast_in_dim3A_126 : vector<1x1xf32> to vector<1x2xf32>
      %sub3A_127 = arith.subf %get3A_124, %sub3A : vector<1x2xf32>
      %exp3A = math.exp %sub3A_127 : vector<1x2xf32>
      %reduce_sum3A_128 = arith.constant dense<0.000000e+00> : vector<1xf32>
      %reduce_sum3A_129 = vector.multi_reduction <add>, %exp3A, %reduce_sum3A_128 [1] : vector<1x2xf32> to vector<1xf32>
      %broadcast_in_dim3A_130 = vector.shape_cast %reduce_sum3A_129 : vector<1xf32> to vector<1x1xf32>
      %log3A = math.log %broadcast_in_dim3A_130 : vector<1x1xf32>
      %add3A_131 = arith.addf %log3A, %broadcast_in_dim3A_126 : vector<1x1xf32>
      %sub3A_132 = vector.broadcast %add3A_131 : vector<1x1xf32> to vector<1x2xf32>
      %sub3A_133 = arith.subf %get3A_124, %sub3A_132 : vector<1x2xf32>
      %swap3A_134 = arith.constant 0 : index
      %swap3A_135 = arith.constant 0 : index
      %swap3A_136 = vector.load %arg19[%swap3A_134, %swap3A_135] : memref<1x2xf32, #tpu.memory_space<vmem>>, vector<1x2xf32>
      tpu.vector_store %arg19[%swap3A_134, %swap3A_135], %sub3A_133 {strides = array<i32>} : memref<1x2xf32, #tpu.memory_space<vmem>>, vector<1x2xf32>,
      %get3A_137 = arith.constant 0 : index
      %get3A_138 = arith.constant 0 : index
      %get3A_139 = vector.load %arg20[%get3A_137, %get3A_138] : memref<1x1xf32, #tpu.memory_space<vmem>>, vector<1x1xf32>
      %tanh3A_140 = math.tanh %get3A_139 : vector<1x1xf32>
      %swap3A_141 = arith.constant 0 : index
      %swap3A_142 = arith.constant 0 : index
      %swap3A_143 = vector.load %arg20[%swap3A_141, %swap3A_142] : memref<1x1xf32, #tpu.memory_space<vmem>>, vector<1x1xf32>
      tpu.vector_store %arg20[%swap3A_141, %swap3A_142], %tanh3A_140 {strides = array<i32>} : memref<1x1xf32, #tpu.memory_space<vmem>>, vector<1x1xf32>,
    } else {
    }
    return
  }
  func.func @transform_0(%arg0: i32) -> (i32, i32) {
    %c0_i32 = arith.constant 0 : i32
    %c0_i32_0 = arith.constant 0 : i32
    return %arg0, %c0_i32 : i32, i32
  }
  func.func @transform_1(%arg0: i32) -> (i32, i32) {
    %c0_i32 = arith.constant 0 : i32
    %c0_i32_0 = arith.constant 0 : i32
    return %arg0, %c0_i32 : i32, i32
  }
  func.func @transform_2(%arg0: i32) -> (i32, i32) {
    %c0_i32 = arith.constant 0 : i32
    %c0_i32_0 = arith.constant 0 : i32
    %c0_i32_1 = arith.constant 0 : i32
    return %c0_i32, %c0_i32_0 : i32, i32
  }
  func.func @transform_3(%arg0: i32) -> (i32, i32) {
    %c0_i32 = arith.constant 0 : i32
    %c0_i32_0 = arith.constant 0 : i32
    %c0_i32_1 = arith.constant 0 : i32
    return %c0_i32, %c0_i32_0 : i32, i32
  }
  func.func @transform_4(%arg0: i32) -> (i32, i32) {
    %c0_i32 = arith.constant 0 : i32
    %c0_i32_0 = arith.constant 0 : i32
    %c0_i32_1 = arith.constant 0 : i32
    return %c0_i32, %c0_i32_0 : i32, i32
  }
  func.func @transform_5(%arg0: i32) -> (i32, i32) {
    %c0_i32 = arith.constant 0 : i32
    %c0_i32_0 = arith.constant 0 : i32
    %c0_i32_1 = arith.constant 0 : i32
    return %c0_i32, %c0_i32_0 : i32, i32
  }
  func.func @transform_6(%arg0: i32) -> (i32, i32) {
    %c0_i32 = arith.constant 0 : i32
    %c0_i32_0 = arith.constant 0 : i32
    %c0_i32_1 = arith.constant 0 : i32
    return %c0_i32, %c0_i32_0 : i32, i32
  }
  func.func @transform_7(%arg0: i32) -> (i32, i32) {
    %c0_i32 = arith.constant 0 : i32
    %c0_i32_0 = arith.constant 0 : i32
    %c0_i32_1 = arith.constant 0 : i32
    return %c0_i32, %c0_i32_0 : i32, i32
  }
  func.func @transform_8(%arg0: i32) -> (i32, i32) {
    %c0_i32 = arith.constant 0 : i32
    %c0_i32_0 = arith.constant 0 : i32
    %c0_i32_1 = arith.constant 0 : i32
    return %c0_i32, %c0_i32_0 : i32, i32
  }
  func.func @transform_9(%arg0: i32) -> (i32, i32) {
    %c0_i32 = arith.constant 0 : i32
    %c0_i32_0 = arith.constant 0 : i32
    %c0_i32_1 = arith.constant 0 : i32
    return %c0_i32, %c0_i32_0 : i32, i32
  }
  func.func @transform_10(%arg0: i32) -> (i32, i32) {
    %c0_i32 = arith.constant 0 : i32
    %c0_i32_0 = arith.constant 0 : i32
    %c0_i32_1 = arith.constant 0 : i32
    return %c0_i32, %c0_i32_0 : i32, i32
  }
  func.func @transform_11(%arg0: i32) -> (i32, i32) {
    %c0_i32 = arith.constant 0 : i32
    %c0_i32_0 = arith.constant 0 : i32
    %c0_i32_1 = arith.constant 0 : i32
    return %c0_i32, %c0_i32_0 : i32, i32
  }
  func.func @transform_12(%arg0: i32) -> (i32, i32) {
    %c0_i32 = arith.constant 0 : i32
    %c0_i32_0 = arith.constant 0 : i32
    %c0_i32_1 = arith.constant 0 : i32
    return %c0_i32, %c0_i32_0 : i32, i32
  }
  func.func @transform_13(%arg0: i32) -> (i32, i32) {
    %c0_i32 = arith.constant 0 : i32
    %c0_i32_0 = arith.constant 0 : i32
    %c0_i32_1 = arith.constant 0 : i32
    return %c0_i32, %c0_i32_0 : i32, i32
  }
  func.func @transform_14(%arg0: i32) -> (i32, i32) {
    %c0_i32 = arith.constant 0 : i32
    %c0_i32_0 = arith.constant 0 : i32
    %c0_i32_1 = arith.constant 0 : i32
    return %c0_i32, %c0_i32_0 : i32, i32
  }
  func.func @transform_15(%arg0: i32) -> (i32, i32) {
    %c0_i32 = arith.constant 0 : i32
    %c0_i32_0 = arith.constant 0 : i32
    %c0_i32_1 = arith.constant 0 : i32
    return %c0_i32, %c0_i32_0 : i32, i32
  }
  func.func @transform_16(%arg0: i32) -> (i32, i32) {
    %c0_i32 = arith.constant 0 : i32
    %c0_i32_0 = arith.constant 0 : i32
    %c0_i32_1 = arith.constant 0 : i32
    return %c0_i32, %c0_i32_0 : i32, i32
  }
  func.func @transform_17(%arg0: i32) -> (i32, i32) {
    %c0_i32 = arith.constant 0 : i32
    %c0_i32_0 = arith.constant 0 : i32
    %c0_i32_1 = arith.constant 0 : i32
    return %c0_i32, %c0_i32_0 : i32, i32
  }
  func.func @transform_18(%arg0: i32) -> (i32, i32) {
    %c0_i32 = arith.constant 0 : i32
    %c0_i32_0 = arith.constant 0 : i32
    %c0_i32_1 = arith.constant 0 : i32
    return %c0_i32, %c0_i32_0 : i32, i32
  }
  func.func @transform_19(%arg0: i32) -> (i32, i32) {
    %c0_i32 = arith.constant 0 : i32
    %c0_i32_0 = arith.constant 0 : i32
    %c0_i32_1 = arith.constant 0 : i32
    return %c0_i32, %c0_i32_0 : i32, i32
  }
}

</mosaic_0001>

<sc_bundles>
// kernel: kernel.10.cloned.1.call-start
scs
__scs_entry_jumppad:
0x0: {  	(pc) =	sbr.rel $0x88, $3  }
0x1: {  	(tag) =	ssettag $0x0;
	lr =	simm.s32 $0x1  }
0x2: {  	[smem:$0x3F88] =	sst lr;
	_ =	strace $0xD0000000  }
0x3: {  	_ = 	snop  }
0x4: {  	_ = 	snop  }
0x5: {  	_ = 	snop  }
0x6: {  	_ = 	snop  }
0x7: {  	_ = 	snop  }
__scs_overlays_trampoline_lowered:
0x8: {  	[smem:$0x3F97] =	sst s0  }
0x9: {  	[smem:$0x3F98] =	sst s1  }
0xa: {  	[smem:$0x3F99] =	sst s2  }
0xb: {  	[smem:$0x3F9A] =	sst s3  }
0xc: {  	[smem:$0x3F9B] =	sst s4  }
0xd: {  	[smem:$0x3F9C] =	sst s5  }
0xe: {  	[smem:$0x3F9D] =	sst s6  }
0xf: {  	[smem:$0x3F9E] =	sst s7  }
0x10: {  	[smem:$0x3F9F] =	sst s8  }
0x11: {  	[smem:$0x3FA0] =	sst s9;
	s0 =	simm.s32 @!p0 $0x0  }
0x12: {  	s1 =	sld [smem:$0x3F86];
	s0 =	simm.s32 @p0 $0x1  }
0x13: {  	[smem:$0x3FA1] =	sst s0;
	s0 =	simm.s32 @!p1 $0x0  }
0x14: {  	s2 =	sld [smem:$0x3F85];
	s0 =	simm.s32 @p1 $0x1  }
0x15: {  	[smem:$0x3FA2] =	sst s0;
	s0 =	simm.s32 @!p2 $0x0  }
0x16: {  	s3 =	sld [smem:$0x3FDB];
	s0 =	simm.s32 @p2 $0x1  }
0x17: {  	s4 =	simm.s32 $0x1BF5;
	[smem:$0x3FA4] =	sst s0  }
0x18: {  	s0 =	sld [smem:$0x3F87];
	_ =	swait.ge [sflag:s4], $0x0  }
0x19: {  	s7 =	sld [smem:$0x3F88]  }
0x1a: {  	s8 =	sadd.s32 $0xFFFFE003, lr  }
0x1b: {  	s9 =	sadd.s32 $0xFFFFFEF7, lr;
	s5 =	simm.s32 $0xFFFFFFFF;
	p2 =	slt.u32 s8, $0xFFFFF086  }
0x1c: {  	p1 =	slt.u32 s9, $0xF7A;
	s5 =	simm.s32 @!p2 $0x0  }
0x1d: {  	s5 =	simm.s32 @p1 $0x1;
	p0 =	seq.s32 s7, s2  }
0x1e: {  	s7 =	smul.u32 @!p0 $0xF7A, s2;
	p2 =	seq.s32 @!p0 s5, $0x0  }
0x1f: {  	s9 =	smul.u32 $0xF7A, s1;
	s8 =	simm.s32 @!p0 $0x1BF5;
	p2 =	por !p2, p0  }
0x20: {  	[sflag:s8] =	ssyncset.s32 @!p0 $0xFFFFF086;
	s6 =	sadd.s32 @!p0 s3, s7;
	s7 =	simm.s32 @!p0 $0x108  }
0x21: {  	s3 =	sadd.s32 s3, s9;
	s6 =	sadd.s32 @!p0 $0x88, s6;
	s7 =	simm.s32 @p2 $0x1082  }
0x22: {  	[simem:s7], [sflag:s8] =	dma.local @!p0 [hbm:s6], $0xF7A  }
0x23: {  	s9 =	sor.u32 $0xD0000000, s2;
	s6 =	simm.s32 $0x108;
	_ =	swait.ge @!p0 [sflag:s8], $0x0  }
0x24: {  	s3 =	sadd.s32 $0x88, s3;
	s6 =	simm.s32 @!p1 $0x1082;
	[sflag:s4] =	ssyncset.s32 $0xFFFFF086  }
0x25: {  	[simem:s6], [sflag:s4] =	dma.local [hbm:s3], $0xF7A  }
0x26: {  	[smem:$0x3F88] =	sst s1;
	(tag) =	ssettag s2;
	_ =	strace s9  }
0x27: {  	s1 =	sld [smem:$0x3F98]  }
0x28: {  	s2 =	sld [smem:$0x3F99]  }
0x29: {  	s4 =	sld [smem:$0x3F9B]  }
0x2a: {  	p0 =	seq.s32 s5, $0x0;
	s5 =	sld [smem:$0x3F9C]  }
0x2b: {  	s6 =	sld [smem:$0x3F9D]  }
0x2c: {  	s7 =	sld [smem:$0x3F9E]  }
0x2d: {  	s3 =	simm.s32 $0x108;
	s8 =	sld [smem:$0x3F9F]  }
0x2e: {  	s3 =	simm.s32 @!p0 $0x1082;
	s9 =	sld [smem:$0x3FA0]  }
0x2f: {  	lr =	sadd.s32 s0, s3;
	s0 =	sld [smem:$0x3F97]  }
0x30: {  	s3 =	sld [smem:$0x3F9A]  }
0x31: {  	[smem:$0x3FA3] =	sst s10  }
0x32: {  	s10 =	sld [smem:$0x3FA1];
	_ =	sdelay $0x3  }
0x33: {  	p0 =	seq.s32 s10, $0x1;
	s10 =	sld [smem:$0x3FA3];
	_ =	sdelay $0x3  }
0x34: {  	[smem:$0x3FA3] =	sst s10  }
0x35: {  	s10 =	sld [smem:$0x3FA2];
	_ =	sdelay $0x3  }
0x36: {  	p1 =	seq.s32 s10, $0x1;
	s10 =	sld [smem:$0x3FA3];
	_ =	sdelay $0x3  }
0x37: {  	[smem:$0x3FA3] =	sst s10  }
0x38: {  	s10 =	sld [smem:$0x3FA4]  }
0x39: {  	_ = 	snop;
	(pc) =	sbr.ind lr, $3  }
0x3a: {  	_ = 	snop  }
0x3b: {  	_ = 	snop  }
0x3c: {  	p2 =	seq.s32 s10, $0x1;
	s10 =	sld [smem:$0x3FA3]  }
0x3d: {  	_ =	shalt  }
0x3e: {  	_ =	shalt  }
0x3f: {  	_ =	shalt  }
0x40: {  	_ =	shalt  }
0x41: {  	_ =	shalt  }
0x42: {  	_ =	shalt  }
0x43: {  	_ =	shalt  }
0x44: {  	_ =	shalt  }
0x45: {  	_ =	shalt  }
0x46: {  	_ =	shalt  }
0x47: {  	_ =	shalt  }
0x48: {  	_ =	shalt  }
0x49: {  	_ =	shalt  }
0x4a: {  	_ =	shalt  }
0x4b: {  	_ =	shalt  }
0x4c: {  	_ =	shalt  }
0x4d: {  	_ =	shalt  }
0x4e: {  	_ =	shalt  }
0x4f: {  	_ =	shalt  }
0x50: {  	_ =	shalt  }
0x51: {  	_ =	shalt  }
0x52: {  	_ =	shalt  }
0x53: {  	_ =	shalt  }
0x54: {  	_ =	shalt  }
0x55: {  	_ =	shalt  }
0x56: {  	_ =	shalt  }
0x57: {  	_ =	shalt  }
0x58: {  	_ =	shalt  }
0x59: {  	_ =	shalt  }
0x5a: {  	_ =	shalt  }
0x5b: {  	_ =	shalt  }
0x5c: {  	_ =	shalt  }
0x5d: {  	_ =	shalt  }
0x5e: {  	_ =	shalt  }
0x5f: {  	_ =	shalt  }
0x60: {  	_ =	shalt  }
0x61: {  	_ =	shalt  }
0x62: {  	_ =	shalt  }
0x63: {  	_ =	shalt  }
0x64: {  	_ =	shalt  }
0x65: {  	_ =	shalt  }
0x66: {  	_ =	shalt  }
0x67: {  	_ =	shalt  }
0x68: {  	_ =	shalt  }
0x69: {  	_ =	shalt  }
0x6a: {  	_ =	shalt  }
0x6b: {  	_ =	shalt  }
0x6c: {  	_ =	shalt  }
0x6d: {  	_ =	shalt  }
0x6e: {  	_ =	shalt  }
0x6f: {  	_ =	shalt  }
0x70: {  	_ =	shalt  }
0x71: {  	_ =	shalt  }
0x72: {  	_ =	shalt  }
0x73: {  	_ =	shalt  }
0x74: {  	_ =	shalt  }
0x75: {  	_ =	shalt  }
0x76: {  	_ =	shalt  }
0x77: {  	_ =	shalt  }
0x78: {  	_ =	shalt  }
0x79: {  	_ =	shalt  }
0x7a: {  	_ =	shalt  }
0x7b: {  	_ =	shalt  }
0x7c: {  	_ =	shalt  }
0x7d: {  	_ =	shalt  }
0x7e: {  	_ =	shalt  }
0x7f: {  	_ =	shalt  }
0x80: {  	_ =	shalt  }
0x81: {  	_ =	shalt  }
0x82: {  	_ =	shalt  }
0x83: {  	_ =	shalt  }
0x84: {  	_ =	shalt  }
0x85: {  	_ =	shalt  }
0x86: {  	_ =	shalt  }
0x87: {  	_ =	shalt  }
.Lfunc_end0:
.L_simem_size_0:
called_computation_lowered:
.L_overlay_start_0:
0x88: {  	s2 =	sld [smem:$0x3FD9]  }
0x89: {  	s3 =	sld [smem:$0x3FFE];
	_ =	sdelay $0x1  }
0x8a: {  	s1 =	srdreg.scid  }
0x8b: {  	s0 =	sand.u32 $0x1, s1  }
0x8c: {  	s16 =	sshll.u32 s0, $0xA;
	s2 =	sadd.s32 s3, s2  }
0x8d: {  	s2 =	sadd.s32 s2, s16  }
0x8e: {  	[smem:$0x3FAF] =	sst s2  }
0x8f: {  	_ = 	snop  }
0x90: {  	(tm) =	ssettm $0x1  }
0x91: {  	s17 =	sld [smem:$0x3FFB];
	_ =	sdelay $0x3  }
0x92: {  	_ =	strace s17  }
0x93: {  	s2 =	sld [smem:$0x3FFC];
	_ =	sdelay $0x3  }
0x94: {  	_ =	strace s2  }
0x95: {  	s2 =	sld [smem:$0x3FFD];
	_ =	sdelay $0x3  }
0x96: {  	_ =	strace s2  }
0x97: {  	_ =	strace $0x8FFFFFFF  }
0x98: {  	s18 =	sld [smem:$0x3FDB];
	_ =	sdelay $0x1  }
0x99: {  	s19 =	simm.s32 $_scs_section_size  }
0x9a: {  	s4 =	simm.s32 $_size__tile_overlayer_lowered;
	s5 =	simm.s32 $_tile_overlayer_lowered  }
0x9b: {  	s22 =	simm.s32 $0x1BFF;
	s21 =	sshll.u32 s5, $0x1;
	s2 =	sadd.s32 s19, s18  }
0x9c: {  	s6 =	simm.s32 $0x0;
	s20 =	sshll.u32 s4, $0x1;
	s4 =	sadd.s32 s21, s2  }
0x9d: {  	[timem:s6], [sflag:s22] =	dma.local [hbm:s4], s20  }
0x9e: {  	_ =	swait.ge [sflag:s22], s20  }
0x9f: {  	s3 =	ssub.s32 $0x0, s20;
	[sflag:s22] =	ssyncset.done $0x0  }
0xa0: {  	[sflag:s22] =	ssyncadd.s32 s3;
	_ =	sdelay $0x1  }
0xa1: {  	s23 =	simm.s32 $0x1B8B  }
0xa2: {  	_ =	swait.ge [sflag:s23], $0x1  }
0xa3: {  	[sflag:s23] =	ssyncset.done $0x0  }
0xa4: {  	s25 =	simm.s32 $0x1B8E;
	s24 =	sld [smem:$0x3FFE];
	[sflag:s23] =	ssyncadd.s32 $0xFFFFFFFF  }
0xa5: {  	s26 =	simm.s32 $execute0_lowered;
	[smem:$0x3FD2] =	sst s25  }
0xa6: {  	s4 =	sshll.u32 s26, $0x1;
	_ =	strace $0x80000046;
	[dreg:$0x1] =	wrdreg $0xFFFFFFFF  }
0xa7: {  	s28 =	simm.s32 $_size_execute0_lowered;
	s2 =	sadd.s32 s2, s4;
	[dreg:$0x0] =	wrdreg $0x0  }
0xa8: {  	s4 =	sshll.u32 s28, $0x1;
	[dreg:$0x2] =	wrdreg s2  }
0xa9: {  	[dreg:$0x3] =	wrdreg s4  }
0xaa: {  	[dreg:$0x4] =	wrdreg $0xC0  }
0xab: {  	_ =	task [dreg:s6], $0x5FFFF  }
0xac: {  	[dreg:$0x1] =	wrdreg $0xFFFFFFFF  }
0xad: {  	[dreg:$0x0] =	wrdreg $0x60  }
0xae: {  	[dreg:$0x2] =	wrdreg s24  }
0xaf: {  	[dreg:$0x3] =	wrdreg $0xA8000  }
0xb0: {  	[dreg:$0x4] =	wrdreg $0x9  }
0xb1: {  	_ =	task.clear_ibuf [dreg:s6], $0x5FFFF;
	_ =	strace $0x90000046  }
0xb2: {  	s29 =	simm.s32 $0x9;
	_ =	strace $0x80000048  }
0xb3: {  	_ =	swait.ge [sflag:s29], $0x1  }
0xb4: {  	[sflag:s29] =	ssyncadd.s32 $0xFFFFFFFF  }
0xb5: {  	_ =	strace $0x90000048  }
0xb6: {  	_ =	sfence  }
0xb7: {  	s30 =	sld [smem:$0x0];
	_ =	sdelay $0x2  }
0xb8: {  	s31 =	sshll.u32 s1, $0xD;
	s1 =	sshrl.u32 s1, $0x2  }
0xb9: {  	s3 =	sand.u32 $0x4000, s31;
	s1 =	sadd.s32 s1, s30  }
0xba: {  	s0 =	sor.u32 s3, s0;
	s1 =	sshll.u32 s1, $0x11  }
0xbb: {  	s0 =	sor.u32 s1, s0  }
0xbc: {  	s0 =	sadd.s32 $0x8F2B, s0  }
0xbd: {  	[sflag:s0] =	ssyncadd.remote.s32 $0x1  }
0xbe: {  	_ =	sfence.sel $0xFFFF  }
0xbf: {  	[dreg:$0x0] =	wrdreg $0xFFFFFFFF;
	(pc) =	sbr.abs _section_cstart, $3  }
0xc0: {  	[dreg:$0x1] =	wrdreg $0xFFFFFFFF  }
0xc1: {  	_ =	task.clear_ibuf [dreg:s6], $0x2FFFF;
	_ =	strace $0x9FFFFFFF  }
0xc2: {  	(tm) =	ssettm $0x7FFFFFFF  }
0xc3: {  	_ =	shalt  }
tec
execute0_lowered:
.L_overlay_start_1:
0x0: {  	(tag) =	ssettag $0x1  }
0x1: {  	s1 =	srdreg.scid;
	s6 =	rddreg [dreg:$0x0]  }
0x2: {  	s0 =	stileid.u32;
	s2 =	rddreg [dreg:$0x1];
	s3 =	simm.s32 $0x0  }
0x3: {  	s15 =	simm.s32 $0x6800;
	s16 =	simm.s32 $0x1;
	s17 =	simm.s32 $0x0  }
0x4: {  	s9 =	sand.u32 $0x1, s1;
	s25 =	sshll.u32 s0, $0x1;
	s8 =	smul.u32 $0x13C00, s0  }
0x5: {  	[smem:$0x7FF] =	sst s3;
	s4 =	sadd.s32 $0x24A00, s6;
	s11 =	smul.u32 $0x4F000, s0  }
0x6: {  	s31 =	sshll.u32 s0, $0x6;
	s1 =	sor.u32 s9, s25;
	s7 =	smul.u32 $0x13C000, s9  }
0x7: {  	s28 =	ssub.s32 $0x2, s9;
	p0 =	seq.s32 s9, $0x0;
	s9 =	simm.s32 $0x38  }
0x8: {  	s5 =	smul.u32 $0x680, s1;
	s1 =	rddreg [dreg:$0x2];
	_ =	strace $0x80000047  }
0x9: {  	s29 =	sshrl.u32 s28, $0x1;
	s30 =	sshrl.u32 s11, $0x2;
	s9 =	simm.s32 @!p0 $0x66  }
0xa: {  	s26 =	sadd.s32 s8, s7;
	s13 =	ssub.s32 s28, s29;
	s14 =	sadd.s32 s30, s2  }
0xb: {  	s10 =	sadd.s32 s5, s6;
	s7 =	sshrl.u32 s26, $0x3;
	s5 =	sadd.s32 $0x10E00, s6  }
0xc: {  	s11 =	smax.u32 s13, $0x1;
	s13 =	simm.s32 $0x2;
	s12 =	sadd.s32 s7, s6  }
0xd: {  	s6 =	sor.u32 $0x1C02, s31;
	s7 =	sadd.s32 $0x17A00, s10;
	s8 =	sadd.s32 $0x3E00, s10  }
0xe: {  	s10 =	sadd.s32 $0xC0E00, s12;
	s12 =	sshrl.u32 s14, $0x3;
	s14 =	simm.s32 $0x80  }
.LBB2_1:
0xf: {  	[spmem:s12], [sflag:s6] =	dma.local [hbm:s5], $0x2780  }
0x10: {  	_ =	swait.ge [sflag:s13], $0x2780  }
0x11: {  	[sflag:s13] =	ssyncset.done $0x0  }
0x12: {  	[sflag:s13] =	ssyncadd.s32 $0xFFFFD880  }
0x13: {  	[tilespmem:s3], [sflag:$0x2] =	stream.linear.gather [hbm4b:s7+s3], $0x3300, $0x38;
	[tilespmem:$0x1E400] =	vst v63  }
0x14: {  	_ =	swait.ge [sflag:s13], $0x3300  }
0x15: {  	[sflag:s13] =	ssyncset.done $0x0  }
0x16: {  	s18 =	simm.s32 $0x3400;
	[sflag:s13] =	ssyncadd.s32 $0xFFFFCD00  }
0x17: {  	[tilespmem:s18], [sflag:$0x2] =	stream.linear.gather [hbm4b:s8+s3], $0x3300, $0x38;
	[tilespmem:$0x1E400] =	vst v63  }
0x18: {  	_ =	swait.ge [sflag:s13], $0x3300  }
0x19: {  	[sflag:s13] =	ssyncset.done $0x0  }
0x1a: {  	[sflag:s13] =	ssyncadd.s32 $0xFFFFCD00  }
0x1b: {  	[bflag:$0x0] =	sbarrier.arrive $0xFFFF  }
0x1c: {  	[tilespmem:s15], [sflag:$0x1] =	stream.indirect.gather [hbm4b:s4+s14], $0x80, s3, s14, $0xb8;
	[tilespmem:$0x1E400] =	vst v63  }
0x1d: {  	p0 =	sne.s32 s9, $0x1;
	_ =	swait.ge [sflag:s16], $0x4000  }
.Ltmp0:
0x1e: {  	[sflag:s16] =	ssyncset.done $0x0;
	(pc) =	sbr.rel @!p0 .LBB2_3-.Ltmp0, $4  }
0x1f: {  	[sflag:s16] =	ssyncadd.s32 $0xFFFFC000  }
0x20: {  	[spmem:s2] =	stream.indirect.scatter.add.f32 [tilespmem:s15], [sflag:$0x2], $0x80, s18, s14, $0xb8;
	[tilespmem:$0x1E400] =	vst v63  }
0x21: {  	_ =	swait.ge [sflag:s13], $0x4000  }
0x22: {  	s19 =	sadd.s32 $0xFFFFFFFF, s9;
	s20 =	simm.s32 $0x0;
	[sflag:s13] =	ssyncset.done $0x0  }
.LBB2_2:
0x23: {  	[sflag:s13] =	ssyncadd.s32 $0xFFFFC000;
	s20 =	sadd.s32 $0x80, s20;
	s18 =	sadd.s32 $0x80, s18  }
0x24: {  	[tilespmem:s15], [sflag:$0x1] =	stream.indirect.gather [hbm4b:s4+s14], $0x80, s20, s14, $0xb8;
	[tilespmem:$0x1E400] =	vst v63  }
0x25: {  	p0 =	sne.s32 s19, $0x1;
	s19 =	sadd.s32 $0xFFFFFFFF, s19;
	_ =	swait.ge [sflag:s16], $0x4000  }
.Ltmp1:
0x26: {  	[sflag:s16] =	ssyncset.done $0x0;
	(pc) =	sbr.rel @p0 .LBB2_2-.Ltmp1, $4  }
0x27: {  	[sflag:s16] =	ssyncadd.s32 $0xFFFFC000  }
0x28: {  	[spmem:s2] =	stream.indirect.scatter.add.f32 [tilespmem:s15], [sflag:$0x2], $0x80, s18, s14, $0xb8;
	[tilespmem:$0x1E400] =	vst v63  }
0x29: {  	_ =	swait.ge [sflag:s13], $0x4000  }
0x2a: {  	[sflag:s13] =	ssyncset.done $0x0  }
.LBB2_3:
0x2b: {  	s17 =	sadd.s32 $0x1, s17  }
0x2c: {  	[sflag:s13] =	ssyncadd.s32 $0xFFFFC000;
	p0 =	sne.s32 s17, s11  }
.Ltmp2:
0x2d: {  	[bflag:$0x0] =	sbarrier.arrive $0xFFFF;
	(pc) =	sbr.rel @p0 .LBB2_1-.Ltmp2, $4  }
0x2e: {  	[hbm:s10], [sflag:s6] =	dma.local [spmem:s12], $0x2780  }
0x2f: {  	_ =	swait.ge [sflag:s13], $0x2780  }
0x30: {  	[sflag:s13] =	ssyncset.done $0x0  }
0x31: {  	[sflag:s13] =	ssyncadd.s32 $0xFFFFD880  }
0x32: {  	_ =	sfence.sel $0x180000  }
0x33: {  	[bflag:$0x0] =	sbarrier.arrive $0xFFFF  }
0x34: {  	p0 =	sne.s32 s0, $0x0;
	_ =	strace $0x90000047  }
0x35: {  	s0 =	sadd.s32 @!p0 $0x100000, s1;
	[bflag:$0x2] =	sbarrier.arrive $0xFFFF  }
0x36: {  	[sflag:s0] =	ssyncadd.tile.s32 @!p0 $0x1;
	_ =	shalt  }
.Lfunc_end2:
_tile_overlayer_lowered:
.L_overlay_start_2:
0x37: {  	(tag) =	ssettag $0x2  }
0x38: {  	s0 =	rddreg [dreg:$0x0];
	s2 =	stileid.u32  }
0x39: {  	s1 =	rddreg [dreg:$0x1];
	p0 =	sne.s32 s2, $0x0  }
0x3a: {  	s3 =	rddreg [dreg:$0x2];
	[bflag:$0x3] =	sbarrier.arrive $0xFFFF;
	s2 =	simm.s32 @!p0 $0x1C02  }
0x3b: {  	[timem:s3], [sflag:s2] =	dma.local @!p0 [hbm:s0], s1  }
0x3c: {  	s0 =	simm.s32 @!p0 $0x2  }
0x3d: {  	_ =	swait.ge @!p0 [sflag:s0], s1  }
0x3e: {  	s1 =	ssub.s32 @!p0 $0x0, s1;
	[sflag:s0] =	ssyncset.done @!p0 $0x0  }
0x3f: {  	[sflag:s0] =	ssyncadd.s32 @!p0 s1  }
0x40: {  	[bflag:$0x3] =	sbarrier.arrive $0xFFFF  }
0x41: {  	_ =	shalt  }

// kernel: kernel.13.cloned.1.call-start
scs
__scs_entry_jumppad:
0x0: {  	(pc) =	sbr.rel $0x88, $3  }
0x1: {  	(tag) =	ssettag $0x0;
	lr =	simm.s32 $0x1  }
0x2: {  	[smem:$0x3F88] =	sst lr;
	_ =	strace $0xD0000000  }
0x3: {  	_ = 	snop  }
0x4: {  	_ = 	snop  }
0x5: {  	_ = 	snop  }
0x6: {  	_ = 	snop  }
0x7: {  	_ = 	snop  }
__scs_overlays_trampoline_lowered:
0x8: {  	[smem:$0x3F97] =	sst s0  }
0x9: {  	[smem:$0x3F98] =	sst s1  }
0xa: {  	[smem:$0x3F99] =	sst s2  }
0xb: {  	[smem:$0x3F9A] =	sst s3  }
0xc: {  	[smem:$0x3F9B] =	sst s4  }
0xd: {  	[smem:$0x3F9C] =	sst s5  }
0xe: {  	[smem:$0x3F9D] =	sst s6  }
0xf: {  	[smem:$0x3F9E] =	sst s7  }
0x10: {  	[smem:$0x3F9F] =	sst s8  }
0x11: {  	[smem:$0x3FA0] =	sst s9;
	s0 =	simm.s32 @!p0 $0x0  }
0x12: {  	s1 =	sld [smem:$0x3F86];
	s0 =	simm.s32 @p0 $0x1  }
0x13: {  	[smem:$0x3FA1] =	sst s0;
	s0 =	simm.s32 @!p1 $0x0  }
0x14: {  	s2 =	sld [smem:$0x3F85];
	s0 =	simm.s32 @p1 $0x1  }
0x15: {  	[smem:$0x3FA2] =	sst s0;
	s0 =	simm.s32 @!p2 $0x0  }
0x16: {  	s3 =	sld [smem:$0x3FDB];
	s0 =	simm.s32 @p2 $0x1  }
0x17: {  	s4 =	simm.s32 $0x1BF5;
	[smem:$0x3FA4] =	sst s0  }
0x18: {  	s0 =	sld [smem:$0x3F87];
	_ =	swait.ge [sflag:s4], $0x0  }
0x19: {  	s7 =	sld [smem:$0x3F88]  }
0x1a: {  	s8 =	sadd.s32 $0xFFFFE003, lr  }
0x1b: {  	s9 =	sadd.s32 $0xFFFFFEF7, lr;
	s5 =	simm.s32 $0xFFFFFFFF;
	p2 =	slt.u32 s8, $0xFFFFF086  }
0x1c: {  	p1 =	slt.u32 s9, $0xF7A;
	s5 =	simm.s32 @!p2 $0x0  }
0x1d: {  	s5 =	simm.s32 @p1 $0x1;
	p0 =	seq.s32 s7, s2  }
0x1e: {  	s7 =	smul.u32 @!p0 $0xF7A, s2;
	p2 =	seq.s32 @!p0 s5, $0x0  }
0x1f: {  	s9 =	smul.u32 $0xF7A, s1;
	s8 =	simm.s32 @!p0 $0x1BF5;
	p2 =	por !p2, p0  }
0x20: {  	[sflag:s8] =	ssyncset.s32 @!p0 $0xFFFFF086;
	s6 =	sadd.s32 @!p0 s3, s7;
	s7 =	simm.s32 @!p0 $0x108  }
0x21: {  	s3 =	sadd.s32 s3, s9;
	s6 =	sadd.s32 @!p0 $0x88, s6;
	s7 =	simm.s32 @p2 $0x1082  }
0x22: {  	[simem:s7], [sflag:s8] =	dma.local @!p0 [hbm:s6], $0xF7A  }
0x23: {  	s9 =	sor.u32 $0xD0000000, s2;
	s6 =	simm.s32 $0x108;
	_ =	swait.ge @!p0 [sflag:s8], $0x0  }
0x24: {  	s3 =	sadd.s32 $0x88, s3;
	s6 =	simm.s32 @!p1 $0x1082;
	[sflag:s4] =	ssyncset.s32 $0xFFFFF086  }
0x25: {  	[simem:s6], [sflag:s4] =	dma.local [hbm:s3], $0xF7A  }
0x26: {  	[smem:$0x3F88] =	sst s1;
	(tag) =	ssettag s2;
	_ =	strace s9  }
0x27: {  	s1 =	sld [smem:$0x3F98]  }
0x28: {  	s2 =	sld [smem:$0x3F99]  }
0x29: {  	s4 =	sld [smem:$0x3F9B]  }
0x2a: {  	p0 =	seq.s32 s5, $0x0;
	s5 =	sld [smem:$0x3F9C]  }
0x2b: {  	s6 =	sld [smem:$0x3F9D]  }
0x2c: {  	s7 =	sld [smem:$0x3F9E]  }
0x2d: {  	s3 =	simm.s32 $0x108;
	s8 =	sld [smem:$0x3F9F]  }
0x2e: {  	s3 =	simm.s32 @!p0 $0x1082;
	s9 =	sld [smem:$0x3FA0]  }
0x2f: {  	lr =	sadd.s32 s0, s3;
	s0 =	sld [smem:$0x3F97]  }
0x30: {  	s3 =	sld [smem:$0x3F9A]  }
0x31: {  	[smem:$0x3FA3] =	sst s10  }
0x32: {  	s10 =	sld [smem:$0x3FA1];
	_ =	sdelay $0x3  }
0x33: {  	p0 =	seq.s32 s10, $0x1;
	s10 =	sld [smem:$0x3FA3];
	_ =	sdelay $0x3  }
0x34: {  	[smem:$0x3FA3] =	sst s10  }
0x35: {  	s10 =	sld [smem:$0x3FA2];
	_ =	sdelay $0x3  }
0x36: {  	p1 =	seq.s32 s10, $0x1;
	s10 =	sld [smem:$0x3FA3];
	_ =	sdelay $0x3  }
0x37: {  	[smem:$0x3FA3] =	sst s10  }
0x38: {  	s10 =	sld [smem:$0x3FA4]  }
0x39: {  	_ = 	snop;
	(pc) =	sbr.ind lr, $3  }
0x3a: {  	_ = 	snop  }
0x3b: {  	_ = 	snop  }
0x3c: {  	p2 =	seq.s32 s10, $0x1;
	s10 =	sld [smem:$0x3FA3]  }
0x3d: {  	_ =	shalt  }
0x3e: {  	_ =	shalt  }
0x3f: {  	_ =	shalt  }
0x40: {  	_ =	shalt  }
0x41: {  	_ =	shalt  }
0x42: {  	_ =	shalt  }
0x43: {  	_ =	shalt  }
0x44: {  	_ =	shalt  }
0x45: {  	_ =	shalt  }
0x46: {  	_ =	shalt  }
0x47: {  	_ =	shalt  }
0x48: {  	_ =	shalt  }
0x49: {  	_ =	shalt  }
0x4a: {  	_ =	shalt  }
0x4b: {  	_ =	shalt  }
0x4c: {  	_ =	shalt  }
0x4d: {  	_ =	shalt  }
0x4e: {  	_ =	shalt  }
0x4f: {  	_ =	shalt  }
0x50: {  	_ =	shalt  }
0x51: {  	_ =	shalt  }
0x52: {  	_ =	shalt  }
0x53: {  	_ =	shalt  }
0x54: {  	_ =	shalt  }
0x55: {  	_ =	shalt  }
0x56: {  	_ =	shalt  }
0x57: {  	_ =	shalt  }
0x58: {  	_ =	shalt  }
0x59: {  	_ =	shalt  }
0x5a: {  	_ =	shalt  }
0x5b: {  	_ =	shalt  }
0x5c: {  	_ =	shalt  }
0x5d: {  	_ =	shalt  }
0x5e: {  	_ =	shalt  }
0x5f: {  	_ =	shalt  }
0x60: {  	_ =	shalt  }
0x61: {  	_ =	shalt  }
0x62: {  	_ =	shalt  }
0x63: {  	_ =	shalt  }
0x64: {  	_ =	shalt  }
0x65: {  	_ =	shalt  }
0x66: {  	_ =	shalt  }
0x67: {  	_ =	shalt  }
0x68: {  	_ =	shalt  }
0x69: {  	_ =	shalt  }
0x6a: {  	_ =	shalt  }
0x6b: {  	_ =	shalt  }
0x6c: {  	_ =	shalt  }
0x6d: {  	_ =	shalt  }
0x6e: {  	_ =	shalt  }
0x6f: {  	_ =	shalt  }
0x70: {  	_ =	shalt  }
0x71: {  	_ =	shalt  }
0x72: {  	_ =	shalt  }
0x73: {  	_ =	shalt  }
0x74: {  	_ =	shalt  }
0x75: {  	_ =	shalt  }
0x76: {  	_ =	shalt  }
0x77: {  	_ =	shalt  }
0x78: {  	_ =	shalt  }
0x79: {  	_ =	shalt  }
0x7a: {  	_ =	shalt  }
0x7b: {  	_ =	shalt  }
0x7c: {  	_ =	shalt  }
0x7d: {  	_ =	shalt  }
0x7e: {  	_ =	shalt  }
0x7f: {  	_ =	shalt  }
0x80: {  	_ =	shalt  }
0x81: {  	_ =	shalt  }
0x82: {  	_ =	shalt  }
0x83: {  	_ =	shalt  }
0x84: {  	_ =	shalt  }
0x85: {  	_ =	shalt  }
0x86: {  	_ =	shalt  }
0x87: {  	_ =	shalt  }
.Lfunc_end0:
.L_simem_size_0:
called_computation.1_lowered:
.L_overlay_start_0:
0x88: {  	s2 =	sld [smem:$0x3FD9]  }
0x89: {  	s3 =	sld [smem:$0x3FFE];
	_ =	sdelay $0x1  }
0x8a: {  	s1 =	srdreg.scid  }
0x8b: {  	s0 =	sand.u32 $0x1, s1  }
0x8c: {  	s16 =	sshll.u32 s0, $0xA;
	s2 =	sadd.s32 s3, s2  }
0x8d: {  	s2 =	sadd.s32 s2, s16  }
0x8e: {  	[smem:$0x3FAF] =	sst s2  }
0x8f: {  	_ = 	snop  }
0x90: {  	(tm) =	ssettm $0x1  }
0x91: {  	s17 =	sld [smem:$0x3FFB];
	_ =	sdelay $0x3  }
0x92: {  	_ =	strace s17  }
0x93: {  	s2 =	sld [smem:$0x3FFC];
	_ =	sdelay $0x3  }
0x94: {  	_ =	strace s2  }
0x95: {  	s2 =	sld [smem:$0x3FFD];
	_ =	sdelay $0x3  }
0x96: {  	_ =	strace s2  }
0x97: {  	_ =	strace $0x8FFFFFFF  }
0x98: {  	s18 =	sld [smem:$0x3FDB];
	_ =	sdelay $0x1  }
0x99: {  	s19 =	simm.s32 $_scs_section_size  }
0x9a: {  	s4 =	simm.s32 $_size__tile_overlayer_lowered;
	s5 =	simm.s32 $_tile_overlayer_lowered  }
0x9b: {  	s22 =	simm.s32 $0x1BFF;
	s21 =	sshll.u32 s5, $0x1;
	s2 =	sadd.s32 s19, s18  }
0x9c: {  	s6 =	simm.s32 $0x0;
	s20 =	sshll.u32 s4, $0x1;
	s4 =	sadd.s32 s21, s2  }
0x9d: {  	[timem:s6], [sflag:s22] =	dma.local [hbm:s4], s20  }
0x9e: {  	_ =	swait.ge [sflag:s22], s20  }
0x9f: {  	s3 =	ssub.s32 $0x0, s20;
	[sflag:s22] =	ssyncset.done $0x0  }
0xa0: {  	[sflag:s22] =	ssyncadd.s32 s3;
	_ =	sdelay $0x1  }
0xa1: {  	s23 =	simm.s32 $0x1B8B  }
0xa2: {  	_ =	swait.ge [sflag:s23], $0x1  }
0xa3: {  	[sflag:s23] =	ssyncset.done $0x0  }
0xa4: {  	s25 =	simm.s32 $0x1B8E;
	s24 =	sld [smem:$0x3FFE];
	[sflag:s23] =	ssyncadd.s32 $0xFFFFFFFF  }
0xa5: {  	s26 =	simm.s32 $execute0_lowered;
	[smem:$0x3FD2] =	sst s25  }
0xa6: {  	s4 =	sshll.u32 s26, $0x1;
	_ =	strace $0x80000049;
	[dreg:$0x1] =	wrdreg $0xFFFFFFFF  }
0xa7: {  	s28 =	simm.s32 $_size_execute0_lowered;
	s2 =	sadd.s32 s2, s4;
	[dreg:$0x0] =	wrdreg $0x0  }
0xa8: {  	s4 =	sshll.u32 s28, $0x1;
	[dreg:$0x2] =	wrdreg s2  }
0xa9: {  	[dreg:$0x3] =	wrdreg s4  }
0xaa: {  	[dreg:$0x4] =	wrdreg $0xC0  }
0xab: {  	_ =	task [dreg:s6], $0x5FFFF  }
0xac: {  	[dreg:$0x1] =	wrdreg $0xFFFFFFFF  }
0xad: {  	[dreg:$0x0] =	wrdreg $0x60  }
0xae: {  	[dreg:$0x2] =	wrdreg s24  }
0xaf: {  	[dreg:$0x3] =	wrdreg $0xA8000  }
0xb0: {  	[dreg:$0x4] =	wrdreg $0x9  }
0xb1: {  	_ =	task.clear_ibuf [dreg:s6], $0x5FFFF;
	_ =	strace $0x90000049  }
0xb2: {  	s29 =	simm.s32 $0x9;
	_ =	strace $0x8000004B  }
0xb3: {  	_ =	swait.ge [sflag:s29], $0x1  }
0xb4: {  	[sflag:s29] =	ssyncadd.s32 $0xFFFFFFFF  }
0xb5: {  	_ =	strace $0x9000004B  }
0xb6: {  	_ =	sfence  }
0xb7: {  	s30 =	sld [smem:$0x0];
	_ =	sdelay $0x2  }
0xb8: {  	s31 =	sshll.u32 s1, $0xD;
	s1 =	sshrl.u32 s1, $0x2  }
0xb9: {  	s3 =	sand.u32 $0x4000, s31;
	s1 =	sadd.s32 s1, s30  }
0xba: {  	s0 =	sor.u32 s3, s0;
	s1 =	sshll.u32 s1, $0x11  }
0xbb: {  	s0 =	sor.u32 s1, s0  }
0xbc: {  	s0 =	sadd.s32 $0x8F2B, s0  }
0xbd: {  	[sflag:s0] =	ssyncadd.remote.s32 $0x1  }
0xbe: {  	_ =	sfence.sel $0xFFFF  }
0xbf: {  	[dreg:$0x0] =	wrdreg $0xFFFFFFFF;
	(pc) =	sbr.abs _section_cstart, $3  }
0xc0: {  	[dreg:$0x1] =	wrdreg $0xFFFFFFFF  }
0xc1: {  	_ =	task.clear_ibuf [dreg:s6], $0x2FFFF;
	_ =	strace $0x9FFFFFFF  }
0xc2: {  	(tm) =	ssettm $0x7FFFFFFF  }
0xc3: {  	_ =	shalt  }
tec
execute0_lowered:
.L_overlay_start_1:
0x0: {  	(tag) =	ssettag $0x1  }
0x1: {  	s1 =	srdreg.scid;
	s6 =	rddreg [dreg:$0x0]  }
0x2: {  	s0 =	stileid.u32;
	s2 =	rddreg [dreg:$0x1];
	s3 =	simm.s32 $0x0  }
0x3: {  	s15 =	simm.s32 $0x6800;
	s16 =	simm.s32 $0x1;
	s17 =	simm.s32 $0x0  }
0x4: {  	s9 =	sand.u32 $0x1, s1;
	s25 =	sshll.u32 s0, $0x1;
	s8 =	smul.u32 $0x13C00, s0  }
0x5: {  	[smem:$0x7FF] =	sst s3;
	s4 =	sadd.s32 $0x24A00, s6;
	s11 =	smul.u32 $0x4F000, s0  }
0x6: {  	s31 =	sshll.u32 s0, $0x6;
	s1 =	sor.u32 s9, s25;
	s7 =	smul.u32 $0x13C000, s9  }
0x7: {  	s28 =	ssub.s32 $0x2, s9;
	p0 =	seq.s32 s9, $0x0;
	s9 =	simm.s32 $0x38  }
0x8: {  	s5 =	smul.u32 $0x680, s1;
	s1 =	rddreg [dreg:$0x2];
	_ =	strace $0x8000004A  }
0x9: {  	s29 =	sshrl.u32 s28, $0x1;
	s30 =	sshrl.u32 s11, $0x2;
	s9 =	simm.s32 @!p0 $0x66  }
0xa: {  	s26 =	sadd.s32 s8, s7;
	s13 =	ssub.s32 s28, s29;
	s14 =	sadd.s32 s30, s2  }
0xb: {  	s10 =	sadd.s32 s5, s6;
	s7 =	sshrl.u32 s26, $0x3;
	s5 =	sadd.s32 $0x10E00, s6  }
0xc: {  	s11 =	smax.u32 s13, $0x1;
	s13 =	simm.s32 $0x2;
	s12 =	sadd.s32 s7, s6  }
0xd: {  	s6 =	sor.u32 $0x1C02, s31;
	s7 =	sadd.s32 $0x17A00, s10;
	s8 =	sadd.s32 $0x3E00, s10  }
0xe: {  	s10 =	sadd.s32 $0xC0E00, s12;
	s12 =	sshrl.u32 s14, $0x3;
	s14 =	simm.s32 $0x80  }
.LBB2_1:
0xf: {  	[spmem:s12], [sflag:s6] =	dma.local [hbm:s5], $0x2780  }
0x10: {  	_ =	swait.ge [sflag:s13], $0x2780  }
0x11: {  	[sflag:s13] =	ssyncset.done $0x0  }
0x12: {  	[sflag:s13] =	ssyncadd.s32 $0xFFFFD880  }
0x13: {  	[tilespmem:s3], [sflag:$0x2] =	stream.linear.gather [hbm4b:s7+s3], $0x3300, $0x38;
	[tilespmem:$0x1E400] =	vst v63  }
0x14: {  	_ =	swait.ge [sflag:s13], $0x3300  }
0x15: {  	[sflag:s13] =	ssyncset.done $0x0  }
0x16: {  	s18 =	simm.s32 $0x3400;
	[sflag:s13] =	ssyncadd.s32 $0xFFFFCD00  }
0x17: {  	[tilespmem:s18], [sflag:$0x2] =	stream.linear.gather [hbm4b:s8+s3], $0x3300, $0x38;
	[tilespmem:$0x1E400] =	vst v63  }
0x18: {  	_ =	swait.ge [sflag:s13], $0x3300  }
0x19: {  	[sflag:s13] =	ssyncset.done $0x0  }
0x1a: {  	[sflag:s13] =	ssyncadd.s32 $0xFFFFCD00  }
0x1b: {  	[bflag:$0x0] =	sbarrier.arrive $0xFFFF  }
0x1c: {  	[tilespmem:s15], [sflag:$0x1] =	stream.indirect.gather [hbm4b:s4+s14], $0x80, s3, s14, $0xb8;
	[tilespmem:$0x1E400] =	vst v63  }
0x1d: {  	p0 =	sne.s32 s9, $0x1;
	_ =	swait.ge [sflag:s16], $0x4000  }
.Ltmp0:
0x1e: {  	[sflag:s16] =	ssyncset.done $0x0;
	(pc) =	sbr.rel @!p0 .LBB2_3-.Ltmp0, $4  }
0x1f: {  	[sflag:s16] =	ssyncadd.s32 $0xFFFFC000  }
0x20: {  	[spmem:s2] =	stream.indirect.scatter.add.f32 [tilespmem:s15], [sflag:$0x2], $0x80, s18, s14, $0xb8;
	[tilespmem:$0x1E400] =	vst v63  }
0x21: {  	_ =	swait.ge [sflag:s13], $0x4000  }
0x22: {  	s19 =	sadd.s32 $0xFFFFFFFF, s9;
	s20 =	simm.s32 $0x0;
	[sflag:s13] =	ssyncset.done $0x0  }
.LBB2_2:
0x23: {  	[sflag:s13] =	ssyncadd.s32 $0xFFFFC000;
	s20 =	sadd.s32 $0x80, s20;
	s18 =	sadd.s32 $0x80, s18  }
0x24: {  	[tilespmem:s15], [sflag:$0x1] =	stream.indirect.gather [hbm4b:s4+s14], $0x80, s20, s14, $0xb8;
	[tilespmem:$0x1E400] =	vst v63  }
0x25: {  	p0 =	sne.s32 s19, $0x1;
	s19 =	sadd.s32 $0xFFFFFFFF, s19;
	_ =	swait.ge [sflag:s16], $0x4000  }
.Ltmp1:
0x26: {  	[sflag:s16] =	ssyncset.done $0x0;
	(pc) =	sbr.rel @p0 .LBB2_2-.Ltmp1, $4  }
0x27: {  	[sflag:s16] =	ssyncadd.s32 $0xFFFFC000  }
0x28: {  	[spmem:s2] =	stream.indirect.scatter.add.f32 [tilespmem:s15], [sflag:$0x2], $0x80, s18, s14, $0xb8;
	[tilespmem:$0x1E400] =	vst v63  }
0x29: {  	_ =	swait.ge [sflag:s13], $0x4000  }
0x2a: {  	[sflag:s13] =	ssyncset.done $0x0  }
.LBB2_3:
0x2b: {  	s17 =	sadd.s32 $0x1, s17  }
0x2c: {  	[sflag:s13] =	ssyncadd.s32 $0xFFFFC000;
	p0 =	sne.s32 s17, s11  }
.Ltmp2:
0x2d: {  	[bflag:$0x0] =	sbarrier.arrive $0xFFFF;
	(pc) =	sbr.rel @p0 .LBB2_1-.Ltmp2, $4  }
0x2e: {  	[hbm:s10], [sflag:s6] =	dma.local [spmem:s12], $0x2780  }
0x2f: {  	_ =	swait.ge [sflag:s13], $0x2780  }
0x30: {  	[sflag:s13] =	ssyncset.done $0x0  }
0x31: {  	[sflag:s13] =	ssyncadd.s32 $0xFFFFD880  }
0x32: {  	_ =	sfence.sel $0x180000  }
0x33: {  	[bflag:$0x0] =	sbarrier.arrive $0xFFFF  }
0x34: {  	p0 =	sne.s32 s0, $0x0;
	_ =	strace $0x9000004A  }
0x35: {  	s0 =	sadd.s32 @!p0 $0x100000, s1;
	[bflag:$0x2] =	sbarrier.arrive $0xFFFF  }
0x36: {  	[sflag:s0] =	ssyncadd.tile.s32 @!p0 $0x1;
	_ =	shalt  }
.Lfunc_end2:
_tile_overlayer_lowered:
.L_overlay_start_2:
0x37: {  	(tag) =	ssettag $0x2  }
0x38: {  	s0 =	rddreg [dreg:$0x0];
	s2 =	stileid.u32  }
0x39: {  	s1 =	rddreg [dreg:$0x1];
	p0 =	sne.s32 s2, $0x0  }
0x3a: {  	s3 =	rddreg [dreg:$0x2];
	[bflag:$0x3] =	sbarrier.arrive $0xFFFF;
	s2 =	simm.s32 @!p0 $0x1C02  }
0x3b: {  	[timem:s3], [sflag:s2] =	dma.local @!p0 [hbm:s0], s1  }
0x3c: {  	s0 =	simm.s32 @!p0 $0x2  }
0x3d: {  	_ =	swait.ge @!p0 [sflag:s0], s1  }
0x3e: {  	s1 =	ssub.s32 @!p0 $0x0, s1;
	[sflag:s0] =	ssyncset.done @!p0 $0x0  }
0x3f: {  	[sflag:s0] =	ssyncadd.s32 @!p0 s1  }
0x40: {  	[bflag:$0x3] =	sbarrier.arrive $0xFFFF  }
0x41: {  	_ =	shalt  }

</sc_bundles>
